<compile_context>
chip_gen: v7x
topology: tpu7x:2x2x1
jax: 0.10.2.dev20260603
libtpu: 0.0.44.dev20260713+nightly
codegen_flags: <defaults>
</compile_context>

<pallas_src>
import functools

import jax
import jax.numpy as jnp
from jax import lax
from jax.experimental import pallas as pl
from jax.experimental.pallas import tpu as pltpu
from jax.experimental.pallas import tpu_sc as plsc

_NC = 2
_NS = 16
_NW = _NC * _NS

_CB = 64
_NBUF = 10


def _sc_gather(table, idx_t, b, f, d):
    per_w = b // _NW
    n_cb = per_w // _CB
    n_chunks = f * n_cb
    n_groups = n_chunks // _NBUF

    mesh = plsc.VectorSubcoreMesh(core_axis_name="c", subcore_axis_name="s")

    @functools.partial(
        pl.kernel,
        out_type=jax.ShapeDtypeStruct((f, b, d), jnp.float32),
        mesh=mesh,
        compiler_params=pltpu.CompilerParams(use_tc_tiling_on_sc=True),
        scratch_types=[
            pltpu.VMEM((f, per_w), jnp.int32),
            pltpu.VMEM((_NBUF * _CB, d), jnp.float32),
            pltpu.VMEM_SHARED((129, d), jnp.float32),
        ] + [pltpu.SemaphoreType.DMA] * (2 * _NBUF),
    )
    def k(table_hbm, idx_hbm, out_hbm, idx_v, rows_v, table_sh, *sems):
        gsem = sems[:_NBUF]
        ssem = sems[_NBUF:]
        sid = lax.axis_index("s")
        wid = sid * _NC + lax.axis_index("c")
        col_base = wid * per_w

        @pl.when(sid == 0)
        def _():
            pltpu.sync_copy(table_hbm, table_sh)

        pltpu.sync_copy(idx_hbm.at[:, pl.ds(col_base, per_w)], idx_v)
        plsc.subcore_barrier()

        def store_wait(bf):
            pltpu.make_async_copy(
                rows_v.at[pl.ds(bf * _CB, _CB)],
                out_hbm.at[0, pl.ds(col_base, _CB)],
                ssem[bf],
            ).wait()

        def body(g, carry):
            t0 = g * _NBUF
            handles = []
            for bf in range(_NBUF):
                t = t0 + bf
                fi = t // n_cb
                cb = t % n_cb
                @pl.when(g > 0)
                def _(bf=bf):
                    store_wait(bf)

                handles.append((
                    fi,
                    cb,
                    pltpu.async_copy(
                        table_sh.at[idx_v.at[fi, pl.ds(cb * _CB, _CB)]],
                        rows_v.at[pl.ds(bf * _CB, _CB)],
                        gsem[bf],
                    ),
                ))
            for bf in range(_NBUF):
                fi, cb, h = handles[bf]
                h.wait()
                pltpu.async_copy(
                    rows_v.at[pl.ds(bf * _CB, _CB)],
                    out_hbm.at[fi, pl.ds(col_base + cb * _CB, _CB)],
                    ssem[bf],
                )
            return carry

        lax.fori_loop(0, n_groups, body, 0)
        for bf in range(_NBUF):
            store_wait(bf)

    return k(table, idx_t)


def kernel(inputs, embedding_matrix):
    b, f = inputs.shape
    d = embedding_matrix.shape[1]
    padded = jnp.concatenate(
        [jnp.zeros((1, d), embedding_matrix.dtype), embedding_matrix], axis=0
    )
    out_t = _sc_gather(padded, inputs.T.astype(jnp.int32), b, f, d)
    return jnp.transpose(out_t, (1, 0, 2))

# --- scband reference (transcript-rebuilt; emitter-appended) ---
"""Pipeline reference for scband-embed-4939212390972 (READ-ONLY COPY).

The authoritative reference and input builder live on the scoring server;
editing this copy changes nothing except your own understanding.
"""

import jax, jax.numpy as jnp
import numpy as np

EMBEDDING_DIMENSION = 128

def setup_inputs(seed: int = 0) -> dict:
    key = jax.random.key(seed)
    k1, = jax.random.split(key, 1)
    inputs = jax.random.randint(k1, (16384, 50), 0, EMBEDDING_DIMENSION + 1, dtype=jnp.int64 if jax.config.jax_enable_x64 else jnp.int32)
    # identity initializer (triangular=False)
    embedding_matrix = jnp.eye(EMBEDDING_DIMENSION, dtype=jnp.float32)
    return {"inputs": inputs, "embedding_matrix": embedding_matrix}

def reference(inputs, embedding_matrix):
    # pad with a zero row at index 0, then gather along axis 0
    embedding_matrix_padded = jnp.concatenate(
        [jnp.zeros((1, embedding_matrix.shape[1]), dtype=embedding_matrix.dtype), embedding_matrix], axis=0
    )
    return jnp.take(embedding_matrix_padded, inputs, axis=0)

if __name__ == "__main__":
    import jax
    _d = setup_inputs()
    print(jax.jit(kernel)(*tuple(_d.values())))

</pallas_src>

<mosaic_0001>
#map = affine_map<(d0, d1) -> (0, 0)>
#map1 = affine_map<(d0, d1) -> (0, 0, 0)>
module attributes {stable_mosaic.version = 14 : i64} {
  func.func @k(%arg0: i32, %arg1: i32, %arg2: memref<129x128xf32, #tpu.memory_space<hbm>>, %arg3: memref<50x16384xi32, #tpu.memory_space<hbm>>, %arg4: memref<50x16384x128xf32, #tpu.memory_space<hbm>>, %arg5: memref<50x512xi32, #tpu.memory_space<vmem>>, %arg6: memref<640x128xf32, #tpu.memory_space<vmem>>, %arg7: memref<129x128xf32, #tpu.memory_space<vmem_shared>>, %arg8: memref<!tpu.dma_semaphore, #tpu.memory_space<semaphore_mem>>, %arg9: memref<!tpu.dma_semaphore, #tpu.memory_space<semaphore_mem>>, %arg10: memref<!tpu.dma_semaphore, #tpu.memory_space<semaphore_mem>>, %arg11: memref<!tpu.dma_semaphore, #tpu.memory_space<semaphore_mem>>, %arg12: memref<!tpu.dma_semaphore, #tpu.memory_space<semaphore_mem>>, %arg13: memref<!tpu.dma_semaphore, #tpu.memory_space<semaphore_mem>>, %arg14: memref<!tpu.dma_semaphore, #tpu.memory_space<semaphore_mem>>, %arg15: memref<!tpu.dma_semaphore, #tpu.memory_space<semaphore_mem>>, %arg16: memref<!tpu.dma_semaphore, #tpu.memory_space<semaphore_mem>>, %arg17: memref<!tpu.dma_semaphore, #tpu.memory_space<semaphore_mem>>, %arg18: memref<!tpu.dma_semaphore, #tpu.memory_space<semaphore_mem>>, %arg19: memref<!tpu.dma_semaphore, #tpu.memory_space<semaphore_mem>>, %arg20: memref<!tpu.dma_semaphore, #tpu.memory_space<semaphore_mem>>, %arg21: memref<!tpu.dma_semaphore, #tpu.memory_space<semaphore_mem>>, %arg22: memref<!tpu.dma_semaphore, #tpu.memory_space<semaphore_mem>>, %arg23: memref<!tpu.dma_semaphore, #tpu.memory_space<semaphore_mem>>, %arg24: memref<!tpu.dma_semaphore, #tpu.memory_space<semaphore_mem>>, %arg25: memref<!tpu.dma_semaphore, #tpu.memory_space<semaphore_mem>>, %arg26: memref<!tpu.dma_semaphore, #tpu.memory_space<semaphore_mem>>, %arg27: memref<!tpu.dma_semaphore, #tpu.memory_space<semaphore_mem>>) attributes {dimension_semantics = [#tpu.dimension_semantics<core_parallel>, #tpu.dimension_semantics<subcore_parallel>], iteration_bounds = array<i64: 2, 16>, scalar_prefetch = 0 : i64, scratch_operands = 23 : i64, tpu.core_type = #tpu.core_type<sc_vector_subcore>, window_params = [{transform_indices = #map}, {transform_indices = #map}, {transform_indices = #map1}]} {
    %mul3A = arith.constant 2 : i32
    %mul3A_0 = arith.muli %arg1, %mul3A : i32
    %add3A = arith.addi %mul3A_0, %arg0 : i32
    %mul3A_1 = arith.constant 512 : i32
    %mul3A_2 = arith.muli %add3A, %mul3A_1 : i32
    %eq3A = arith.constant 0 : i32
    %eq3A_3 = arith.cmpi eq, %arg1, %eq3A : i32
    %convert_element_type3A = arith.extui %eq3A_3 : i1 to i32
    %cond3A = arith.constant 0 : i32
    %cond3A_4 = arith.cmpi ne, %convert_element_type3A, %cond3A : i32
    scf.if %cond3A_4 {
      "tpu.region"() ({
        %run_scoped3A = tpu.sem_alloc : memref<!tpu.dma_semaphore, #tpu.memory_space<semaphore_mem>>
        tpu.enqueue_dma source(%arg2 : memref<129x128xf32, #tpu.memory_space<hbm>>) target(%arg7 : memref<129x128xf32, #tpu.memory_space<vmem_shared>>) target_semaphore(%run_scoped3A : memref<!tpu.dma_semaphore, #tpu.memory_space<semaphore_mem>>)
        tpu.wait_dma2 semaphore(%run_scoped3A : memref<!tpu.dma_semaphore, #tpu.memory_space<semaphore_mem>>) src(%arg2 : memref<129x128xf32, #tpu.memory_space<hbm>>) dst(%arg7 : memref<129x128xf32, #tpu.memory_space<vmem_shared>>)
        tpu.yield
      }) : () -> ()
    } else {
    }
    "tpu.region"() ({
      %run_scoped3A = tpu.sem_alloc : memref<!tpu.dma_semaphore, #tpu.memory_space<semaphore_mem>>
      %dma_start3A = arith.constant 0 : i32
      %dma_start3A_139 = tpu.memref_slice %arg3[%dma_start3A, %mul3A_2] : memref<50x16384xi32, #tpu.memory_space<hbm>> -> memref<50x512xi32, #tpu.memory_space<hbm>>
      %dma_start3A_140 = arith.constant 0 : i32
      %dma_start3A_141 = tpu.memref_slice %arg3[%dma_start3A_140, %mul3A_2] : memref<50x16384xi32, #tpu.memory_space<hbm>> -> memref<50x512xi32, #tpu.memory_space<hbm>>
      tpu.enqueue_dma source(%dma_start3A_141 : memref<50x512xi32, #tpu.memory_space<hbm>>) target(%arg5 : memref<50x512xi32, #tpu.memory_space<vmem>>) target_semaphore(%run_scoped3A : memref<!tpu.dma_semaphore, #tpu.memory_space<semaphore_mem>>)
      %dma_wait3A_142 = arith.constant 0 : i32
      %dma_wait3A_143 = tpu.memref_slice %arg3[%dma_wait3A_142, %mul3A_2] : memref<50x16384xi32, #tpu.memory_space<hbm>> -> memref<50x512xi32, #tpu.memory_space<hbm>>
      %dma_wait3A_144 = arith.constant 0 : i32
      %dma_wait3A_145 = tpu.memref_slice %arg3[%dma_wait3A_144, %mul3A_2] : memref<50x16384xi32, #tpu.memory_space<hbm>> -> memref<50x512xi32, #tpu.memory_space<hbm>>
      tpu.wait_dma2 semaphore(%run_scoped3A : memref<!tpu.dma_semaphore, #tpu.memory_space<semaphore_mem>>) src(%dma_wait3A_145 : memref<50x512xi32, #tpu.memory_space<hbm>>) dst(%arg5 : memref<50x512xi32, #tpu.memory_space<vmem>>)
      tpu.yield
    }) : () -> ()
    %barrier3A = arith.constant 0 : index
    tpu.barrier barrier_id(%barrier3A)
    %scan3A = arith.constant 0 : i32
    %scan3A_5 = arith.constant 0 : i32
    %scan3A_6 = arith.constant 40 : i32
    %scan3A_7 = arith.addi %scan3A_5, %scan3A_6 : i32
    %scan3A_8 = arith.constant 1 : i32
    scf.for %scan3A_139 = %scan3A_5 to %scan3A_7 step %scan3A_8  : i32 {
      %mul3A_140 = arith.constant 10 : i32
      %mul3A_141 = arith.muli %scan3A_139, %mul3A_140 : i32
      %add3A_142 = arith.constant 0 : i32
      %add3A_143 = arith.addi %mul3A_141, %add3A_142 : i32
      %jit3A = arith.constant 8 : i32
      %div3A = arith.divsi %add3A_143, %jit3A : i32
      %sign3A = arith.constant 0 : i32
      %sign3A_144 = arith.cmpi sgt, %add3A_143, %sign3A : i32
      %sign3A_145 = arith.extui %sign3A_144 : i1 to i32
      %sign3A_146 = arith.constant 0 : i32
      %sign3A_147 = arith.cmpi slt, %add3A_143, %sign3A_146 : i32
      %sign3A_148 = arith.extui %sign3A_147 : i1 to i32
      %sign3A_149 = arith.subi %sign3A_145, %sign3A_148 : i32
      %sign3A_150 = arith.constant 0 : i32
      %sign3A_151 = arith.cmpi sgt, %jit3A, %sign3A_150 : i32
      %sign3A_152 = arith.extui %sign3A_151 : i1 to i32
      %sign3A_153 = arith.constant 0 : i32
      %sign3A_154 = arith.cmpi slt, %jit3A, %sign3A_153 : i32
      %sign3A_155 = arith.extui %sign3A_154 : i1 to i32
      %sign3A_156 = arith.subi %sign3A_152, %sign3A_155 : i32
      %ne3A = arith.cmpi ne, %sign3A_149, %sign3A_156 : i32
      %rem3A = arith.remsi %add3A_143, %jit3A : i32
      %ne3A_157 = arith.constant 0 : i32
      %ne3A_158 = arith.cmpi ne, %rem3A, %ne3A_157 : i32
      %and3A = arith.andi %ne3A, %ne3A_158 : i1
      %sub3A = arith.constant 1 : i32
      %sub3A_159 = arith.subi %div3A, %sub3A : i32
      %select_n3A = arith.select %and3A, %sub3A_159, %div3A : i32
      %jit3A_160 = arith.constant 8 : i32
      %eq3A_161 = arith.constant 0 : i32
      %eq3A_162 = arith.cmpi eq, %jit3A_160, %eq3A_161 : i32
      %jit3A_163 = arith.constant 1 : i32
      %select_n3A_164 = arith.select %eq3A_162, %jit3A_163, %jit3A_160 : i32
      %rem3A_165 = arith.remsi %add3A_143, %select_n3A_164 : i32
      %ne3A_166 = arith.constant 0 : i32
      %ne3A_167 = arith.cmpi ne, %rem3A_165, %ne3A_166 : i32
      %lt3A = arith.constant 0 : i32
      %lt3A_168 = arith.cmpi slt, %rem3A_165, %lt3A : i32
      %lt3A_169 = arith.constant 0 : i32
      %lt3A_170 = arith.cmpi slt, %select_n3A_164, %lt3A_169 : i32
      %ne3A_171 = arith.xori %lt3A_168, %lt3A_170 : i1
      %and3A_172 = arith.andi %ne3A_171, %ne3A_167 : i1
      %add3A_173 = arith.addi %rem3A_165, %select_n3A_164 : i32
      %select_n3A_174 = arith.select %and3A_172, %add3A_173, %rem3A_165 : i32
      %gt3A = arith.constant 0 : i32
      %gt3A_175 = arith.cmpi sgt, %scan3A_139, %gt3A : i32
      %convert_element_type3A_176 = arith.extui %gt3A_175 : i1 to i32
      %cond3A_177 = arith.constant 0 : i32
      %cond3A_178 = arith.cmpi ne, %convert_element_type3A_176, %cond3A_177 : i32
      scf.if %cond3A_178 {
        %dma_wait3A_931 = arith.constant 0 : i32
        %dma_wait3A_932 = arith.constant 0 : i32
        %dma_wait3A_933 = arith.constant 0 : i32
        %dma_wait3A_934 = tpu.memref_slice %arg6[%dma_wait3A_932, %dma_wait3A_933] : memref<640x128xf32, #tpu.memory_space<vmem>> -> memref<64x128xf32, #tpu.memory_space<vmem>>
        %dma_wait3A_935 = arith.constant 0 : i32
        %dma_wait3A_936 = tpu.memref_slice %arg4[%dma_wait3A_931, %mul3A_2, %dma_wait3A_935] : memref<50x16384x128xf32, #tpu.memory_space<hbm>> -> memref<1x64x128xf32, #tpu.memory_space<hbm>>
        %dma_wait3A_937 = tpu.memref_squeeze %dma_wait3A_936 : memref<1x64x128xf32, #tpu.memory_space<hbm>> -> memref<64x128xf32, #tpu.memory_space<hbm>>
        %dma_wait3A_938 = arith.constant 0 : i32
        %dma_wait3A_939 = tpu.memref_slice %arg4[%dma_wait3A_931, %mul3A_2, %dma_wait3A_938] : memref<50x16384x128xf32, #tpu.memory_space<hbm>> -> memref<1x64x128xf32, #tpu.memory_space<hbm>>
        %dma_wait3A_940 = tpu.memref_squeeze %dma_wait3A_939 : memref<1x64x128xf32, #tpu.memory_space<hbm>> -> memref<64x128xf32, #tpu.memory_space<hbm>>
        %dma_wait3A_941 = arith.constant 0 : i32
        %dma_wait3A_942 = arith.constant 0 : i32
        %dma_wait3A_943 = tpu.memref_slice %arg6[%dma_wait3A_941, %dma_wait3A_942] : memref<640x128xf32, #tpu.memory_space<vmem>> -> memref<64x128xf32, #tpu.memory_space<vmem>>
        tpu.wait_dma2 semaphore(%arg18 : memref<!tpu.dma_semaphore, #tpu.memory_space<semaphore_mem>>) src(%dma_wait3A_943 : memref<64x128xf32, #tpu.memory_space<vmem>>) dst(%dma_wait3A_940 : memref<64x128xf32, #tpu.memory_space<hbm>>)
      } else {
      }
      %mul3A_179 = arith.constant 64 : i32
      %mul3A_180 = arith.muli %select_n3A_174, %mul3A_179 : i32
      %dma_start3A = arith.constant 0 : i32
      %dma_start3A_181 = arith.constant 0 : i32
      %dma_start3A_182 = tpu.memref_slice %arg6[%dma_start3A, %dma_start3A_181] : memref<640x128xf32, #tpu.memory_space<vmem>> -> memref<64x128xf32, #tpu.memory_space<vmem>>
      %dma_start3A_183 = tpu.memref_slice %arg5[%select_n3A, %mul3A_180] : memref<50x512xi32, #tpu.memory_space<vmem>> -> memref<1x64xi32, #tpu.memory_space<vmem>>
      %dma_start3A_184 = tpu.memref_squeeze %dma_start3A_183 : memref<1x64xi32, #tpu.memory_space<vmem>> -> memref<64xi32, #tpu.memory_space<vmem>>
      %dma_start3A_185 = arith.constant 0 : i32
      %dma_start3A_186 = arith.constant 0 : i32
      %dma_start3A_187 = tpu.memref_slice %arg7[%dma_start3A_185, %dma_start3A_186] : memref<129x128xf32, #tpu.memory_space<vmem_shared>> -> memref<129x128xf32, #tpu.memory_space<vmem_shared>>
      tpu.enqueue_indirect_dma source(%dma_start3A_187 : memref<129x128xf32, #tpu.memory_space<vmem_shared>>) target(%dma_start3A_182 : memref<64x128xf32, #tpu.memory_space<vmem>>) offsets(%dma_start3A_184 : memref<64xi32, #tpu.memory_space<vmem>>) semaphore(%arg8 : memref<!tpu.dma_semaphore, #tpu.memory_space<semaphore_mem>>)
      %add3A_188 = arith.constant 1 : i32
      %add3A_189 = arith.addi %mul3A_141, %add3A_188 : i32
      %jit3A_190 = arith.constant 8 : i32
      %div3A_191 = arith.divsi %add3A_189, %jit3A_190 : i32
      %sign3A_192 = arith.constant 0 : i32
      %sign3A_193 = arith.cmpi sgt, %add3A_189, %sign3A_192 : i32
      %sign3A_194 = arith.extui %sign3A_193 : i1 to i32
      %sign3A_195 = arith.constant 0 : i32
      %sign3A_196 = arith.cmpi slt, %add3A_189, %sign3A_195 : i32
      %sign3A_197 = arith.extui %sign3A_196 : i1 to i32
      %sign3A_198 = arith.subi %sign3A_194, %sign3A_197 : i32
      %sign3A_199 = arith.constant 0 : i32
      %sign3A_200 = arith.cmpi sgt, %jit3A_190, %sign3A_199 : i32
      %sign3A_201 = arith.extui %sign3A_200 : i1 to i32
      %sign3A_202 = arith.constant 0 : i32
      %sign3A_203 = arith.cmpi slt, %jit3A_190, %sign3A_202 : i32
      %sign3A_204 = arith.extui %sign3A_203 : i1 to i32
      %sign3A_205 = arith.subi %sign3A_201, %sign3A_204 : i32
      %ne3A_206 = arith.cmpi ne, %sign3A_198, %sign3A_205 : i32
      %rem3A_207 = arith.remsi %add3A_189, %jit3A_190 : i32
      %ne3A_208 = arith.constant 0 : i32
      %ne3A_209 = arith.cmpi ne, %rem3A_207, %ne3A_208 : i32
      %and3A_210 = arith.andi %ne3A_206, %ne3A_209 : i1
      %sub3A_211 = arith.constant 1 : i32
      %sub3A_212 = arith.subi %div3A_191, %sub3A_211 : i32
      %select_n3A_213 = arith.select %and3A_210, %sub3A_212, %div3A_191 : i32
      %jit3A_214 = arith.constant 8 : i32
      %eq3A_215 = arith.constant 0 : i32
      %eq3A_216 = arith.cmpi eq, %jit3A_214, %eq3A_215 : i32
      %jit3A_217 = arith.constant 1 : i32
      %select_n3A_218 = arith.select %eq3A_216, %jit3A_217, %jit3A_214 : i32
      %rem3A_219 = arith.remsi %add3A_189, %select_n3A_218 : i32
      %ne3A_220 = arith.constant 0 : i32
      %ne3A_221 = arith.cmpi ne, %rem3A_219, %ne3A_220 : i32
      %lt3A_222 = arith.constant 0 : i32
      %lt3A_223 = arith.cmpi slt, %rem3A_219, %lt3A_222 : i32
      %lt3A_224 = arith.constant 0 : i32
      %lt3A_225 = arith.cmpi slt, %select_n3A_218, %lt3A_224 : i32
      %ne3A_226 = arith.xori %lt3A_223, %lt3A_225 : i1
      %and3A_227 = arith.andi %ne3A_226, %ne3A_221 : i1
      %add3A_228 = arith.addi %rem3A_219, %select_n3A_218 : i32
      %select_n3A_229 = arith.select %and3A_227, %add3A_228, %rem3A_219 : i32
      %gt3A_230 = arith.constant 0 : i32
      %gt3A_231 = arith.cmpi sgt, %scan3A_139, %gt3A_230 : i32
      %convert_element_type3A_232 = arith.extui %gt3A_231 : i1 to i32
      %cond3A_233 = arith.constant 0 : i32
      %cond3A_234 = arith.cmpi ne, %convert_element_type3A_232, %cond3A_233 : i32
      scf.if %cond3A_234 {
        %dma_wait3A_931 = arith.constant 0 : i32
        %dma_wait3A_932 = arith.constant 64 : i32
        %dma_wait3A_933 = arith.constant 0 : i32
        %dma_wait3A_934 = tpu.memref_slice %arg6[%dma_wait3A_932, %dma_wait3A_933] : memref<640x128xf32, #tpu.memory_space<vmem>> -> memref<64x128xf32, #tpu.memory_space<vmem>>
        %dma_wait3A_935 = arith.constant 0 : i32
        %dma_wait3A_936 = tpu.memref_slice %arg4[%dma_wait3A_931, %mul3A_2, %dma_wait3A_935] : memref<50x16384x128xf32, #tpu.memory_space<hbm>> -> memref<1x64x128xf32, #tpu.memory_space<hbm>>
        %dma_wait3A_937 = tpu.memref_squeeze %dma_wait3A_936 : memref<1x64x128xf32, #tpu.memory_space<hbm>> -> memref<64x128xf32, #tpu.memory_space<hbm>>
        %dma_wait3A_938 = arith.constant 0 : i32
        %dma_wait3A_939 = tpu.memref_slice %arg4[%dma_wait3A_931, %mul3A_2, %dma_wait3A_938] : memref<50x16384x128xf32, #tpu.memory_space<hbm>> -> memref<1x64x128xf32, #tpu.memory_space<hbm>>
        %dma_wait3A_940 = tpu.memref_squeeze %dma_wait3A_939 : memref<1x64x128xf32, #tpu.memory_space<hbm>> -> memref<64x128xf32, #tpu.memory_space<hbm>>
        %dma_wait3A_941 = arith.constant 64 : i32
        %dma_wait3A_942 = arith.constant 0 : i32
        %dma_wait3A_943 = tpu.memref_slice %arg6[%dma_wait3A_941, %dma_wait3A_942] : memref<640x128xf32, #tpu.memory_space<vmem>> -> memref<64x128xf32, #tpu.memory_space<vmem>>
        tpu.wait_dma2 semaphore(%arg19 : memref<!tpu.dma_semaphore, #tpu.memory_space<semaphore_mem>>) src(%dma_wait3A_943 : memref<64x128xf32, #tpu.memory_space<vmem>>) dst(%dma_wait3A_940 : memref<64x128xf32, #tpu.memory_space<hbm>>)
      } else {
      }
      %mul3A_235 = arith.constant 64 : i32
      %mul3A_236 = arith.muli %select_n3A_229, %mul3A_235 : i32
      %dma_start3A_237 = arith.constant 64 : i32
      %dma_start3A_238 = arith.constant 0 : i32
      %dma_start3A_239 = tpu.memref_slice %arg6[%dma_start3A_237, %dma_start3A_238] : memref<640x128xf32, #tpu.memory_space<vmem>> -> memref<64x128xf32, #tpu.memory_space<vmem>>
      %dma_start3A_240 = tpu.memref_slice %arg5[%select_n3A_213, %mul3A_236] : memref<50x512xi32, #tpu.memory_space<vmem>> -> memref<1x64xi32, #tpu.memory_space<vmem>>
      %dma_start3A_241 = tpu.memref_squeeze %dma_start3A_240 : memref<1x64xi32, #tpu.memory_space<vmem>> -> memref<64xi32, #tpu.memory_space<vmem>>
      %dma_start3A_242 = arith.constant 0 : i32
      %dma_start3A_243 = arith.constant 0 : i32
      %dma_start3A_244 = tpu.memref_slice %arg7[%dma_start3A_242, %dma_start3A_243] : memref<129x128xf32, #tpu.memory_space<vmem_shared>> -> memref<129x128xf32, #tpu.memory_space<vmem_shared>>
      tpu.enqueue_indirect_dma source(%dma_start3A_244 : memref<129x128xf32, #tpu.memory_space<vmem_shared>>) target(%dma_start3A_239 : memref<64x128xf32, #tpu.memory_space<vmem>>) offsets(%dma_start3A_241 : memref<64xi32, #tpu.memory_space<vmem>>) semaphore(%arg9 : memref<!tpu.dma_semaphore, #tpu.memory_space<semaphore_mem>>)
      %add3A_245 = arith.constant 2 : i32
      %add3A_246 = arith.addi %mul3A_141, %add3A_245 : i32
      %jit3A_247 = arith.constant 8 : i32
      %div3A_248 = arith.divsi %add3A_246, %jit3A_247 : i32
      %sign3A_249 = arith.constant 0 : i32
      %sign3A_250 = arith.cmpi sgt, %add3A_246, %sign3A_249 : i32
      %sign3A_251 = arith.extui %sign3A_250 : i1 to i32
      %sign3A_252 = arith.constant 0 : i32
      %sign3A_253 = arith.cmpi slt, %add3A_246, %sign3A_252 : i32
      %sign3A_254 = arith.extui %sign3A_253 : i1 to i32
      %sign3A_255 = arith.subi %sign3A_251, %sign3A_254 : i32
      %sign3A_256 = arith.constant 0 : i32
      %sign3A_257 = arith.cmpi sgt, %jit3A_247, %sign3A_256 : i32
      %sign3A_258 = arith.extui %sign3A_257 : i1 to i32
      %sign3A_259 = arith.constant 0 : i32
      %sign3A_260 = arith.cmpi slt, %jit3A_247, %sign3A_259 : i32
      %sign3A_261 = arith.extui %sign3A_260 : i1 to i32
      %sign3A_262 = arith.subi %sign3A_258, %sign3A_261 : i32
      %ne3A_263 = arith.cmpi ne, %sign3A_255, %sign3A_262 : i32
      %rem3A_264 = arith.remsi %add3A_246, %jit3A_247 : i32
      %ne3A_265 = arith.constant 0 : i32
      %ne3A_266 = arith.cmpi ne, %rem3A_264, %ne3A_265 : i32
      %and3A_267 = arith.andi %ne3A_263, %ne3A_266 : i1
      %sub3A_268 = arith.constant 1 : i32
      %sub3A_269 = arith.subi %div3A_248, %sub3A_268 : i32
      %select_n3A_270 = arith.select %and3A_267, %sub3A_269, %div3A_248 : i32
      %jit3A_271 = arith.constant 8 : i32
      %eq3A_272 = arith.constant 0 : i32
      %eq3A_273 = arith.cmpi eq, %jit3A_271, %eq3A_272 : i32
      %jit3A_274 = arith.constant 1 : i32
      %select_n3A_275 = arith.select %eq3A_273, %jit3A_274, %jit3A_271 : i32
      %rem3A_276 = arith.remsi %add3A_246, %select_n3A_275 : i32
      %ne3A_277 = arith.constant 0 : i32
      %ne3A_278 = arith.cmpi ne, %rem3A_276, %ne3A_277 : i32
      %lt3A_279 = arith.constant 0 : i32
      %lt3A_280 = arith.cmpi slt, %rem3A_276, %lt3A_279 : i32
      %lt3A_281 = arith.constant 0 : i32
      %lt3A_282 = arith.cmpi slt, %select_n3A_275, %lt3A_281 : i32
      %ne3A_283 = arith.xori %lt3A_280, %lt3A_282 : i1
      %and3A_284 = arith.andi %ne3A_283, %ne3A_278 : i1
      %add3A_285 = arith.addi %rem3A_276, %select_n3A_275 : i32
      %select_n3A_286 = arith.select %and3A_284, %add3A_285, %rem3A_276 : i32
      %gt3A_287 = arith.constant 0 : i32
      %gt3A_288 = arith.cmpi sgt, %scan3A_139, %gt3A_287 : i32
      %convert_element_type3A_289 = arith.extui %gt3A_288 : i1 to i32
      %cond3A_290 = arith.constant 0 : i32
      %cond3A_291 = arith.cmpi ne, %convert_element_type3A_289, %cond3A_290 : i32
      scf.if %cond3A_291 {
        %dma_wait3A_931 = arith.constant 0 : i32
        %dma_wait3A_932 = arith.constant 128 : i32
        %dma_wait3A_933 = arith.constant 0 : i32
        %dma_wait3A_934 = tpu.memref_slice %arg6[%dma_wait3A_932, %dma_wait3A_933] : memref<640x128xf32, #tpu.memory_space<vmem>> -> memref<64x128xf32, #tpu.memory_space<vmem>>
        %dma_wait3A_935 = arith.constant 0 : i32
        %dma_wait3A_936 = tpu.memref_slice %arg4[%dma_wait3A_931, %mul3A_2, %dma_wait3A_935] : memref<50x16384x128xf32, #tpu.memory_space<hbm>> -> memref<1x64x128xf32, #tpu.memory_space<hbm>>
        %dma_wait3A_937 = tpu.memref_squeeze %dma_wait3A_936 : memref<1x64x128xf32, #tpu.memory_space<hbm>> -> memref<64x128xf32, #tpu.memory_space<hbm>>
        %dma_wait3A_938 = arith.constant 0 : i32
        %dma_wait3A_939 = tpu.memref_slice %arg4[%dma_wait3A_931, %mul3A_2, %dma_wait3A_938] : memref<50x16384x128xf32, #tpu.memory_space<hbm>> -> memref<1x64x128xf32, #tpu.memory_space<hbm>>
        %dma_wait3A_940 = tpu.memref_squeeze %dma_wait3A_939 : memref<1x64x128xf32, #tpu.memory_space<hbm>> -> memref<64x128xf32, #tpu.memory_space<hbm>>
        %dma_wait3A_941 = arith.constant 128 : i32
        %dma_wait3A_942 = arith.constant 0 : i32
        %dma_wait3A_943 = tpu.memref_slice %arg6[%dma_wait3A_941, %dma_wait3A_942] : memref<640x128xf32, #tpu.memory_space<vmem>> -> memref<64x128xf32, #tpu.memory_space<vmem>>
        tpu.wait_dma2 semaphore(%arg20 : memref<!tpu.dma_semaphore, #tpu.memory_space<semaphore_mem>>) src(%dma_wait3A_943 : memref<64x128xf32, #tpu.memory_space<vmem>>) dst(%dma_wait3A_940 : memref<64x128xf32, #tpu.memory_space<hbm>>)
      } else {
      }
      %mul3A_292 = arith.constant 64 : i32
      %mul3A_293 = arith.muli %select_n3A_286, %mul3A_292 : i32
      %dma_start3A_294 = arith.constant 128 : i32
      %dma_start3A_295 = arith.constant 0 : i32
      %dma_start3A_296 = tpu.memref_slice %arg6[%dma_start3A_294, %dma_start3A_295] : memref<640x128xf32, #tpu.memory_space<vmem>> -> memref<64x128xf32, #tpu.memory_space<vmem>>
      %dma_start3A_297 = tpu.memref_slice %arg5[%select_n3A_270, %mul3A_293] : memref<50x512xi32, #tpu.memory_space<vmem>> -> memref<1x64xi32, #tpu.memory_space<vmem>>
      %dma_start3A_298 = tpu.memref_squeeze %dma_start3A_297 : memref<1x64xi32, #tpu.memory_space<vmem>> -> memref<64xi32, #tpu.memory_space<vmem>>
      %dma_start3A_299 = arith.constant 0 : i32
      %dma_start3A_300 = arith.constant 0 : i32
      %dma_start3A_301 = tpu.memref_slice %arg7[%dma_start3A_299, %dma_start3A_300] : memref<129x128xf32, #tpu.memory_space<vmem_shared>> -> memref<129x128xf32, #tpu.memory_space<vmem_shared>>
      tpu.enqueue_indirect_dma source(%dma_start3A_301 : memref<129x128xf32, #tpu.memory_space<vmem_shared>>) target(%dma_start3A_296 : memref<64x128xf32, #tpu.memory_space<vmem>>) offsets(%dma_start3A_298 : memref<64xi32, #tpu.memory_space<vmem>>) semaphore(%arg10 : memref<!tpu.dma_semaphore, #tpu.memory_space<semaphore_mem>>)
      %add3A_302 = arith.constant 3 : i32
      %add3A_303 = arith.addi %mul3A_141, %add3A_302 : i32
      %jit3A_304 = arith.constant 8 : i32
      %div3A_305 = arith.divsi %add3A_303, %jit3A_304 : i32
      %sign3A_306 = arith.constant 0 : i32
      %sign3A_307 = arith.cmpi sgt, %add3A_303, %sign3A_306 : i32
      %sign3A_308 = arith.extui %sign3A_307 : i1 to i32
      %sign3A_309 = arith.constant 0 : i32
      %sign3A_310 = arith.cmpi slt, %add3A_303, %sign3A_309 : i32
      %sign3A_311 = arith.extui %sign3A_310 : i1 to i32
      %sign3A_312 = arith.subi %sign3A_308, %sign3A_311 : i32
      %sign3A_313 = arith.constant 0 : i32
      %sign3A_314 = arith.cmpi sgt, %jit3A_304, %sign3A_313 : i32
      %sign3A_315 = arith.extui %sign3A_314 : i1 to i32
      %sign3A_316 = arith.constant 0 : i32
      %sign3A_317 = arith.cmpi slt, %jit3A_304, %sign3A_316 : i32
      %sign3A_318 = arith.extui %sign3A_317 : i1 to i32
      %sign3A_319 = arith.subi %sign3A_315, %sign3A_318 : i32
      %ne3A_320 = arith.cmpi ne, %sign3A_312, %sign3A_319 : i32
      %rem3A_321 = arith.remsi %add3A_303, %jit3A_304 : i32
      %ne3A_322 = arith.constant 0 : i32
      %ne3A_323 = arith.cmpi ne, %rem3A_321, %ne3A_322 : i32
      %and3A_324 = arith.andi %ne3A_320, %ne3A_323 : i1
      %sub3A_325 = arith.constant 1 : i32
      %sub3A_326 = arith.subi %div3A_305, %sub3A_325 : i32
      %select_n3A_327 = arith.select %and3A_324, %sub3A_326, %div3A_305 : i32
      %jit3A_328 = arith.constant 8 : i32
      %eq3A_329 = arith.constant 0 : i32
      %eq3A_330 = arith.cmpi eq, %jit3A_328, %eq3A_329 : i32
      %jit3A_331 = arith.constant 1 : i32
      %select_n3A_332 = arith.select %eq3A_330, %jit3A_331, %jit3A_328 : i32
      %rem3A_333 = arith.remsi %add3A_303, %select_n3A_332 : i32
      %ne3A_334 = arith.constant 0 : i32
      %ne3A_335 = arith.cmpi ne, %rem3A_333, %ne3A_334 : i32
      %lt3A_336 = arith.constant 0 : i32
      %lt3A_337 = arith.cmpi slt, %rem3A_333, %lt3A_336 : i32
      %lt3A_338 = arith.constant 0 : i32
      %lt3A_339 = arith.cmpi slt, %select_n3A_332, %lt3A_338 : i32
      %ne3A_340 = arith.xori %lt3A_337, %lt3A_339 : i1
      %and3A_341 = arith.andi %ne3A_340, %ne3A_335 : i1
      %add3A_342 = arith.addi %rem3A_333, %select_n3A_332 : i32
      %select_n3A_343 = arith.select %and3A_341, %add3A_342, %rem3A_333 : i32
      %gt3A_344 = arith.constant 0 : i32
      %gt3A_345 = arith.cmpi sgt, %scan3A_139, %gt3A_344 : i32
      %convert_element_type3A_346 = arith.extui %gt3A_345 : i1 to i32
      %cond3A_347 = arith.constant 0 : i32
      %cond3A_348 = arith.cmpi ne, %convert_element_type3A_346, %cond3A_347 : i32
      scf.if %cond3A_348 {
        %dma_wait3A_931 = arith.constant 0 : i32
        %dma_wait3A_932 = arith.constant 192 : i32
        %dma_wait3A_933 = arith.constant 0 : i32
        %dma_wait3A_934 = tpu.memref_slice %arg6[%dma_wait3A_932, %dma_wait3A_933] : memref<640x128xf32, #tpu.memory_space<vmem>> -> memref<64x128xf32, #tpu.memory_space<vmem>>
        %dma_wait3A_935 = arith.constant 0 : i32
        %dma_wait3A_936 = tpu.memref_slice %arg4[%dma_wait3A_931, %mul3A_2, %dma_wait3A_935] : memref<50x16384x128xf32, #tpu.memory_space<hbm>> -> memref<1x64x128xf32, #tpu.memory_space<hbm>>
        %dma_wait3A_937 = tpu.memref_squeeze %dma_wait3A_936 : memref<1x64x128xf32, #tpu.memory_space<hbm>> -> memref<64x128xf32, #tpu.memory_space<hbm>>
        %dma_wait3A_938 = arith.constant 0 : i32
        %dma_wait3A_939 = tpu.memref_slice %arg4[%dma_wait3A_931, %mul3A_2, %dma_wait3A_938] : memref<50x16384x128xf32, #tpu.memory_space<hbm>> -> memref<1x64x128xf32, #tpu.memory_space<hbm>>
        %dma_wait3A_940 = tpu.memref_squeeze %dma_wait3A_939 : memref<1x64x128xf32, #tpu.memory_space<hbm>> -> memref<64x128xf32, #tpu.memory_space<hbm>>
        %dma_wait3A_941 = arith.constant 192 : i32
        %dma_wait3A_942 = arith.constant 0 : i32
        %dma_wait3A_943 = tpu.memref_slice %arg6[%dma_wait3A_941, %dma_wait3A_942] : memref<640x128xf32, #tpu.memory_space<vmem>> -> memref<64x128xf32, #tpu.memory_space<vmem>>
        tpu.wait_dma2 semaphore(%arg21 : memref<!tpu.dma_semaphore, #tpu.memory_space<semaphore_mem>>) src(%dma_wait3A_943 : memref<64x128xf32, #tpu.memory_space<vmem>>) dst(%dma_wait3A_940 : memref<64x128xf32, #tpu.memory_space<hbm>>)
      } else {
      }
      %mul3A_349 = arith.constant 64 : i32
      %mul3A_350 = arith.muli %select_n3A_343, %mul3A_349 : i32
      %dma_start3A_351 = arith.constant 192 : i32
      %dma_start3A_352 = arith.constant 0 : i32
      %dma_start3A_353 = tpu.memref_slice %arg6[%dma_start3A_351, %dma_start3A_352] : memref<640x128xf32, #tpu.memory_space<vmem>> -> memref<64x128xf32, #tpu.memory_space<vmem>>
      %dma_start3A_354 = tpu.memref_slice %arg5[%select_n3A_327, %mul3A_350] : memref<50x512xi32, #tpu.memory_space<vmem>> -> memref<1x64xi32, #tpu.memory_space<vmem>>
      %dma_start3A_355 = tpu.memref_squeeze %dma_start3A_354 : memref<1x64xi32, #tpu.memory_space<vmem>> -> memref<64xi32, #tpu.memory_space<vmem>>
      %dma_start3A_356 = arith.constant 0 : i32
      %dma_start3A_357 = arith.constant 0 : i32
      %dma_start3A_358 = tpu.memref_slice %arg7[%dma_start3A_356, %dma_start3A_357] : memref<129x128xf32, #tpu.memory_space<vmem_shared>> -> memref<129x128xf32, #tpu.memory_space<vmem_shared>>
      tpu.enqueue_indirect_dma source(%dma_start3A_358 : memref<129x128xf32, #tpu.memory_space<vmem_shared>>) target(%dma_start3A_353 : memref<64x128xf32, #tpu.memory_space<vmem>>) offsets(%dma_start3A_355 : memref<64xi32, #tpu.memory_space<vmem>>) semaphore(%arg11 : memref<!tpu.dma_semaphore, #tpu.memory_space<semaphore_mem>>)
      %add3A_359 = arith.constant 4 : i32
      %add3A_360 = arith.addi %mul3A_141, %add3A_359 : i32
      %jit3A_361 = arith.constant 8 : i32
      %div3A_362 = arith.divsi %add3A_360, %jit3A_361 : i32
      %sign3A_363 = arith.constant 0 : i32
      %sign3A_364 = arith.cmpi sgt, %add3A_360, %sign3A_363 : i32
      %sign3A_365 = arith.extui %sign3A_364 : i1 to i32
      %sign3A_366 = arith.constant 0 : i32
      %sign3A_367 = arith.cmpi slt, %add3A_360, %sign3A_366 : i32
      %sign3A_368 = arith.extui %sign3A_367 : i1 to i32
      %sign3A_369 = arith.subi %sign3A_365, %sign3A_368 : i32
      %sign3A_370 = arith.constant 0 : i32
      %sign3A_371 = arith.cmpi sgt, %jit3A_361, %sign3A_370 : i32
      %sign3A_372 = arith.extui %sign3A_371 : i1 to i32
      %sign3A_373 = arith.constant 0 : i32
      %sign3A_374 = arith.cmpi slt, %jit3A_361, %sign3A_373 : i32
      %sign3A_375 = arith.extui %sign3A_374 : i1 to i32
      %sign3A_376 = arith.subi %sign3A_372, %sign3A_375 : i32
      %ne3A_377 = arith.cmpi ne, %sign3A_369, %sign3A_376 : i32
      %rem3A_378 = arith.remsi %add3A_360, %jit3A_361 : i32
      %ne3A_379 = arith.constant 0 : i32
      %ne3A_380 = arith.cmpi ne, %rem3A_378, %ne3A_379 : i32
      %and3A_381 = arith.andi %ne3A_377, %ne3A_380 : i1
      %sub3A_382 = arith.constant 1 : i32
      %sub3A_383 = arith.subi %div3A_362, %sub3A_382 : i32
      %select_n3A_384 = arith.select %and3A_381, %sub3A_383, %div3A_362 : i32
      %jit3A_385 = arith.constant 8 : i32
      %eq3A_386 = arith.constant 0 : i32
      %eq3A_387 = arith.cmpi eq, %jit3A_385, %eq3A_386 : i32
      %jit3A_388 = arith.constant 1 : i32
      %select_n3A_389 = arith.select %eq3A_387, %jit3A_388, %jit3A_385 : i32
      %rem3A_390 = arith.remsi %add3A_360, %select_n3A_389 : i32
      %ne3A_391 = arith.constant 0 : i32
      %ne3A_392 = arith.cmpi ne, %rem3A_390, %ne3A_391 : i32
      %lt3A_393 = arith.constant 0 : i32
      %lt3A_394 = arith.cmpi slt, %rem3A_390, %lt3A_393 : i32
      %lt3A_395 = arith.constant 0 : i32
      %lt3A_396 = arith.cmpi slt, %select_n3A_389, %lt3A_395 : i32
      %ne3A_397 = arith.xori %lt3A_394, %lt3A_396 : i1
      %and3A_398 = arith.andi %ne3A_397, %ne3A_392 : i1
      %add3A_399 = arith.addi %rem3A_390, %select_n3A_389 : i32
      %select_n3A_400 = arith.select %and3A_398, %add3A_399, %rem3A_390 : i32
      %gt3A_401 = arith.constant 0 : i32
      %gt3A_402 = arith.cmpi sgt, %scan3A_139, %gt3A_401 : i32
      %convert_element_type3A_403 = arith.extui %gt3A_402 : i1 to i32
      %cond3A_404 = arith.constant 0 : i32
      %cond3A_405 = arith.cmpi ne, %convert_element_type3A_403, %cond3A_404 : i32
      scf.if %cond3A_405 {
        %dma_wait3A_931 = arith.constant 0 : i32
        %dma_wait3A_932 = arith.constant 256 : i32
        %dma_wait3A_933 = arith.constant 0 : i32
        %dma_wait3A_934 = tpu.memref_slice %arg6[%dma_wait3A_932, %dma_wait3A_933] : memref<640x128xf32, #tpu.memory_space<vmem>> -> memref<64x128xf32, #tpu.memory_space<vmem>>
        %dma_wait3A_935 = arith.constant 0 : i32
        %dma_wait3A_936 = tpu.memref_slice %arg4[%dma_wait3A_931, %mul3A_2, %dma_wait3A_935] : memref<50x16384x128xf32, #tpu.memory_space<hbm>> -> memref<1x64x128xf32, #tpu.memory_space<hbm>>
        %dma_wait3A_937 = tpu.memref_squeeze %dma_wait3A_936 : memref<1x64x128xf32, #tpu.memory_space<hbm>> -> memref<64x128xf32, #tpu.memory_space<hbm>>
        %dma_wait3A_938 = arith.constant 0 : i32
        %dma_wait3A_939 = tpu.memref_slice %arg4[%dma_wait3A_931, %mul3A_2, %dma_wait3A_938] : memref<50x16384x128xf32, #tpu.memory_space<hbm>> -> memref<1x64x128xf32, #tpu.memory_space<hbm>>
        %dma_wait3A_940 = tpu.memref_squeeze %dma_wait3A_939 : memref<1x64x128xf32, #tpu.memory_space<hbm>> -> memref<64x128xf32, #tpu.memory_space<hbm>>
        %dma_wait3A_941 = arith.constant 256 : i32
        %dma_wait3A_942 = arith.constant 0 : i32
        %dma_wait3A_943 = tpu.memref_slice %arg6[%dma_wait3A_941, %dma_wait3A_942] : memref<640x128xf32, #tpu.memory_space<vmem>> -> memref<64x128xf32, #tpu.memory_space<vmem>>
        tpu.wait_dma2 semaphore(%arg22 : memref<!tpu.dma_semaphore, #tpu.memory_space<semaphore_mem>>) src(%dma_wait3A_943 : memref<64x128xf32, #tpu.memory_space<vmem>>) dst(%dma_wait3A_940 : memref<64x128xf32, #tpu.memory_space<hbm>>)
      } else {
      }
      %mul3A_406 = arith.constant 64 : i32
      %mul3A_407 = arith.muli %select_n3A_400, %mul3A_406 : i32
      %dma_start3A_408 = arith.constant 256 : i32
      %dma_start3A_409 = arith.constant 0 : i32
      %dma_start3A_410 = tpu.memref_slice %arg6[%dma_start3A_408, %dma_start3A_409] : memref<640x128xf32, #tpu.memory_space<vmem>> -> memref<64x128xf32, #tpu.memory_space<vmem>>
      %dma_start3A_411 = tpu.memref_slice %arg5[%select_n3A_384, %mul3A_407] : memref<50x512xi32, #tpu.memory_space<vmem>> -> memref<1x64xi32, #tpu.memory_space<vmem>>
      %dma_start3A_412 = tpu.memref_squeeze %dma_start3A_411 : memref<1x64xi32, #tpu.memory_space<vmem>> -> memref<64xi32, #tpu.memory_space<vmem>>
      %dma_start3A_413 = arith.constant 0 : i32
      %dma_start3A_414 = arith.constant 0 : i32
      %dma_start3A_415 = tpu.memref_slice %arg7[%dma_start3A_413, %dma_start3A_414] : memref<129x128xf32, #tpu.memory_space<vmem_shared>> -> memref<129x128xf32, #tpu.memory_space<vmem_shared>>
      tpu.enqueue_indirect_dma source(%dma_start3A_415 : memref<129x128xf32, #tpu.memory_space<vmem_shared>>) target(%dma_start3A_410 : memref<64x128xf32, #tpu.memory_space<vmem>>) offsets(%dma_start3A_412 : memref<64xi32, #tpu.memory_space<vmem>>) semaphore(%arg12 : memref<!tpu.dma_semaphore, #tpu.memory_space<semaphore_mem>>)
      %add3A_416 = arith.constant 5 : i32
      %add3A_417 = arith.addi %mul3A_141, %add3A_416 : i32
      %jit3A_418 = arith.constant 8 : i32
      %div3A_419 = arith.divsi %add3A_417, %jit3A_418 : i32
      %sign3A_420 = arith.constant 0 : i32
      %sign3A_421 = arith.cmpi sgt, %add3A_417, %sign3A_420 : i32
      %sign3A_422 = arith.extui %sign3A_421 : i1 to i32
      %sign3A_423 = arith.constant 0 : i32
      %sign3A_424 = arith.cmpi slt, %add3A_417, %sign3A_423 : i32
      %sign3A_425 = arith.extui %sign3A_424 : i1 to i32
      %sign3A_426 = arith.subi %sign3A_422, %sign3A_425 : i32
      %sign3A_427 = arith.constant 0 : i32
      %sign3A_428 = arith.cmpi sgt, %jit3A_418, %sign3A_427 : i32
      %sign3A_429 = arith.extui %sign3A_428 : i1 to i32
      %sign3A_430 = arith.constant 0 : i32
      %sign3A_431 = arith.cmpi slt, %jit3A_418, %sign3A_430 : i32
      %sign3A_432 = arith.extui %sign3A_431 : i1 to i32
      %sign3A_433 = arith.subi %sign3A_429, %sign3A_432 : i32
      %ne3A_434 = arith.cmpi ne, %sign3A_426, %sign3A_433 : i32
      %rem3A_435 = arith.remsi %add3A_417, %jit3A_418 : i32
      %ne3A_436 = arith.constant 0 : i32
      %ne3A_437 = arith.cmpi ne, %rem3A_435, %ne3A_436 : i32
      %and3A_438 = arith.andi %ne3A_434, %ne3A_437 : i1
      %sub3A_439 = arith.constant 1 : i32
      %sub3A_440 = arith.subi %div3A_419, %sub3A_439 : i32
      %select_n3A_441 = arith.select %and3A_438, %sub3A_440, %div3A_419 : i32
      %jit3A_442 = arith.constant 8 : i32
      %eq3A_443 = arith.constant 0 : i32
      %eq3A_444 = arith.cmpi eq, %jit3A_442, %eq3A_443 : i32
      %jit3A_445 = arith.constant 1 : i32
      %select_n3A_446 = arith.select %eq3A_444, %jit3A_445, %jit3A_442 : i32
      %rem3A_447 = arith.remsi %add3A_417, %select_n3A_446 : i32
      %ne3A_448 = arith.constant 0 : i32
      %ne3A_449 = arith.cmpi ne, %rem3A_447, %ne3A_448 : i32
      %lt3A_450 = arith.constant 0 : i32
      %lt3A_451 = arith.cmpi slt, %rem3A_447, %lt3A_450 : i32
      %lt3A_452 = arith.constant 0 : i32
      %lt3A_453 = arith.cmpi slt, %select_n3A_446, %lt3A_452 : i32
      %ne3A_454 = arith.xori %lt3A_451, %lt3A_453 : i1
      %and3A_455 = arith.andi %ne3A_454, %ne3A_449 : i1
      %add3A_456 = arith.addi %rem3A_447, %select_n3A_446 : i32
      %select_n3A_457 = arith.select %and3A_455, %add3A_456, %rem3A_447 : i32
      %gt3A_458 = arith.constant 0 : i32
      %gt3A_459 = arith.cmpi sgt, %scan3A_139, %gt3A_458 : i32
      %convert_element_type3A_460 = arith.extui %gt3A_459 : i1 to i32
      %cond3A_461 = arith.constant 0 : i32
      %cond3A_462 = arith.cmpi ne, %convert_element_type3A_460, %cond3A_461 : i32
      scf.if %cond3A_462 {
        %dma_wait3A_931 = arith.constant 0 : i32
        %dma_wait3A_932 = arith.constant 320 : i32
        %dma_wait3A_933 = arith.constant 0 : i32
        %dma_wait3A_934 = tpu.memref_slice %arg6[%dma_wait3A_932, %dma_wait3A_933] : memref<640x128xf32, #tpu.memory_space<vmem>> -> memref<64x128xf32, #tpu.memory_space<vmem>>
        %dma_wait3A_935 = arith.constant 0 : i32
        %dma_wait3A_936 = tpu.memref_slice %arg4[%dma_wait3A_931, %mul3A_2, %dma_wait3A_935] : memref<50x16384x128xf32, #tpu.memory_space<hbm>> -> memref<1x64x128xf32, #tpu.memory_space<hbm>>
        %dma_wait3A_937 = tpu.memref_squeeze %dma_wait3A_936 : memref<1x64x128xf32, #tpu.memory_space<hbm>> -> memref<64x128xf32, #tpu.memory_space<hbm>>
        %dma_wait3A_938 = arith.constant 0 : i32
        %dma_wait3A_939 = tpu.memref_slice %arg4[%dma_wait3A_931, %mul3A_2, %dma_wait3A_938] : memref<50x16384x128xf32, #tpu.memory_space<hbm>> -> memref<1x64x128xf32, #tpu.memory_space<hbm>>
        %dma_wait3A_940 = tpu.memref_squeeze %dma_wait3A_939 : memref<1x64x128xf32, #tpu.memory_space<hbm>> -> memref<64x128xf32, #tpu.memory_space<hbm>>
        %dma_wait3A_941 = arith.constant 320 : i32
        %dma_wait3A_942 = arith.constant 0 : i32
        %dma_wait3A_943 = tpu.memref_slice %arg6[%dma_wait3A_941, %dma_wait3A_942] : memref<640x128xf32, #tpu.memory_space<vmem>> -> memref<64x128xf32, #tpu.memory_space<vmem>>
        tpu.wait_dma2 semaphore(%arg23 : memref<!tpu.dma_semaphore, #tpu.memory_space<semaphore_mem>>) src(%dma_wait3A_943 : memref<64x128xf32, #tpu.memory_space<vmem>>) dst(%dma_wait3A_940 : memref<64x128xf32, #tpu.memory_space<hbm>>)
      } else {
      }
      %mul3A_463 = arith.constant 64 : i32
      %mul3A_464 = arith.muli %select_n3A_457, %mul3A_463 : i32
      %dma_start3A_465 = arith.constant 320 : i32
      %dma_start3A_466 = arith.constant 0 : i32
      %dma_start3A_467 = tpu.memref_slice %arg6[%dma_start3A_465, %dma_start3A_466] : memref<640x128xf32, #tpu.memory_space<vmem>> -> memref<64x128xf32, #tpu.memory_space<vmem>>
      %dma_start3A_468 = tpu.memref_slice %arg5[%select_n3A_441, %mul3A_464] : memref<50x512xi32, #tpu.memory_space<vmem>> -> memref<1x64xi32, #tpu.memory_space<vmem>>
      %dma_start3A_469 = tpu.memref_squeeze %dma_start3A_468 : memref<1x64xi32, #tpu.memory_space<vmem>> -> memref<64xi32, #tpu.memory_space<vmem>>
      %dma_start3A_470 = arith.constant 0 : i32
      %dma_start3A_471 = arith.constant 0 : i32
      %dma_start3A_472 = tpu.memref_slice %arg7[%dma_start3A_470, %dma_start3A_471] : memref<129x128xf32, #tpu.memory_space<vmem_shared>> -> memref<129x128xf32, #tpu.memory_space<vmem_shared>>
      tpu.enqueue_indirect_dma source(%dma_start3A_472 : memref<129x128xf32, #tpu.memory_space<vmem_shared>>) target(%dma_start3A_467 : memref<64x128xf32, #tpu.memory_space<vmem>>) offsets(%dma_start3A_469 : memref<64xi32, #tpu.memory_space<vmem>>) semaphore(%arg13 : memref<!tpu.dma_semaphore, #tpu.memory_space<semaphore_mem>>)
      %add3A_473 = arith.constant 6 : i32
      %add3A_474 = arith.addi %mul3A_141, %add3A_473 : i32
      %jit3A_475 = arith.constant 8 : i32
      %div3A_476 = arith.divsi %add3A_474, %jit3A_475 : i32
      %sign3A_477 = arith.constant 0 : i32
      %sign3A_478 = arith.cmpi sgt, %add3A_474, %sign3A_477 : i32
      %sign3A_479 = arith.extui %sign3A_478 : i1 to i32
      %sign3A_480 = arith.constant 0 : i32
      %sign3A_481 = arith.cmpi slt, %add3A_474, %sign3A_480 : i32
      %sign3A_482 = arith.extui %sign3A_481 : i1 to i32
      %sign3A_483 = arith.subi %sign3A_479, %sign3A_482 : i32
      %sign3A_484 = arith.constant 0 : i32
      %sign3A_485 = arith.cmpi sgt, %jit3A_475, %sign3A_484 : i32
      %sign3A_486 = arith.extui %sign3A_485 : i1 to i32
      %sign3A_487 = arith.constant 0 : i32
      %sign3A_488 = arith.cmpi slt, %jit3A_475, %sign3A_487 : i32
      %sign3A_489 = arith.extui %sign3A_488 : i1 to i32
      %sign3A_490 = arith.subi %sign3A_486, %sign3A_489 : i32
      %ne3A_491 = arith.cmpi ne, %sign3A_483, %sign3A_490 : i32
      %rem3A_492 = arith.remsi %add3A_474, %jit3A_475 : i32
      %ne3A_493 = arith.constant 0 : i32
      %ne3A_494 = arith.cmpi ne, %rem3A_492, %ne3A_493 : i32
      %and3A_495 = arith.andi %ne3A_491, %ne3A_494 : i1
      %sub3A_496 = arith.constant 1 : i32
      %sub3A_497 = arith.subi %div3A_476, %sub3A_496 : i32
      %select_n3A_498 = arith.select %and3A_495, %sub3A_497, %div3A_476 : i32
      %jit3A_499 = arith.constant 8 : i32
      %eq3A_500 = arith.constant 0 : i32
      %eq3A_501 = arith.cmpi eq, %jit3A_499, %eq3A_500 : i32
      %jit3A_502 = arith.constant 1 : i32
      %select_n3A_503 = arith.select %eq3A_501, %jit3A_502, %jit3A_499 : i32
      %rem3A_504 = arith.remsi %add3A_474, %select_n3A_503 : i32
      %ne3A_505 = arith.constant 0 : i32
      %ne3A_506 = arith.cmpi ne, %rem3A_504, %ne3A_505 : i32
      %lt3A_507 = arith.constant 0 : i32
      %lt3A_508 = arith.cmpi slt, %rem3A_504, %lt3A_507 : i32
      %lt3A_509 = arith.constant 0 : i32
      %lt3A_510 = arith.cmpi slt, %select_n3A_503, %lt3A_509 : i32
      %ne3A_511 = arith.xori %lt3A_508, %lt3A_510 : i1
      %and3A_512 = arith.andi %ne3A_511, %ne3A_506 : i1
      %add3A_513 = arith.addi %rem3A_504, %select_n3A_503 : i32
      %select_n3A_514 = arith.select %and3A_512, %add3A_513, %rem3A_504 : i32
      %gt3A_515 = arith.constant 0 : i32
      %gt3A_516 = arith.cmpi sgt, %scan3A_139, %gt3A_515 : i32
      %convert_element_type3A_517 = arith.extui %gt3A_516 : i1 to i32
      %cond3A_518 = arith.constant 0 : i32
      %cond3A_519 = arith.cmpi ne, %convert_element_type3A_517, %cond3A_518 : i32
      scf.if %cond3A_519 {
        %dma_wait3A_931 = arith.constant 0 : i32
        %dma_wait3A_932 = arith.constant 384 : i32
        %dma_wait3A_933 = arith.constant 0 : i32
        %dma_wait3A_934 = tpu.memref_slice %arg6[%dma_wait3A_932, %dma_wait3A_933] : memref<640x128xf32, #tpu.memory_space<vmem>> -> memref<64x128xf32, #tpu.memory_space<vmem>>
        %dma_wait3A_935 = arith.constant 0 : i32
        %dma_wait3A_936 = tpu.memref_slice %arg4[%dma_wait3A_931, %mul3A_2, %dma_wait3A_935] : memref<50x16384x128xf32, #tpu.memory_space<hbm>> -> memref<1x64x128xf32, #tpu.memory_space<hbm>>
        %dma_wait3A_937 = tpu.memref_squeeze %dma_wait3A_936 : memref<1x64x128xf32, #tpu.memory_space<hbm>> -> memref<64x128xf32, #tpu.memory_space<hbm>>
        %dma_wait3A_938 = arith.constant 0 : i32
        %dma_wait3A_939 = tpu.memref_slice %arg4[%dma_wait3A_931, %mul3A_2, %dma_wait3A_938] : memref<50x16384x128xf32, #tpu.memory_space<hbm>> -> memref<1x64x128xf32, #tpu.memory_space<hbm>>
        %dma_wait3A_940 = tpu.memref_squeeze %dma_wait3A_939 : memref<1x64x128xf32, #tpu.memory_space<hbm>> -> memref<64x128xf32, #tpu.memory_space<hbm>>
        %dma_wait3A_941 = arith.constant 384 : i32
        %dma_wait3A_942 = arith.constant 0 : i32
        %dma_wait3A_943 = tpu.memref_slice %arg6[%dma_wait3A_941, %dma_wait3A_942] : memref<640x128xf32, #tpu.memory_space<vmem>> -> memref<64x128xf32, #tpu.memory_space<vmem>>
        tpu.wait_dma2 semaphore(%arg24 : memref<!tpu.dma_semaphore, #tpu.memory_space<semaphore_mem>>) src(%dma_wait3A_943 : memref<64x128xf32, #tpu.memory_space<vmem>>) dst(%dma_wait3A_940 : memref<64x128xf32, #tpu.memory_space<hbm>>)
      } else {
      }
      %mul3A_520 = arith.constant 64 : i32
      %mul3A_521 = arith.muli %select_n3A_514, %mul3A_520 : i32
      %dma_start3A_522 = arith.constant 384 : i32
      %dma_start3A_523 = arith.constant 0 : i32
      %dma_start3A_524 = tpu.memref_slice %arg6[%dma_start3A_522, %dma_start3A_523] : memref<640x128xf32, #tpu.memory_space<vmem>> -> memref<64x128xf32, #tpu.memory_space<vmem>>
      %dma_start3A_525 = tpu.memref_slice %arg5[%select_n3A_498, %mul3A_521] : memref<50x512xi32, #tpu.memory_space<vmem>> -> memref<1x64xi32, #tpu.memory_space<vmem>>
      %dma_start3A_526 = tpu.memref_squeeze %dma_start3A_525 : memref<1x64xi32, #tpu.memory_space<vmem>> -> memref<64xi32, #tpu.memory_space<vmem>>
      %dma_start3A_527 = arith.constant 0 : i32
      %dma_start3A_528 = arith.constant 0 : i32
      %dma_start3A_529 = tpu.memref_slice %arg7[%dma_start3A_527, %dma_start3A_528] : memref<129x128xf32, #tpu.memory_space<vmem_shared>> -> memref<129x128xf32, #tpu.memory_space<vmem_shared>>
      tpu.enqueue_indirect_dma source(%dma_start3A_529 : memref<129x128xf32, #tpu.memory_space<vmem_shared>>) target(%dma_start3A_524 : memref<64x128xf32, #tpu.memory_space<vmem>>) offsets(%dma_start3A_526 : memref<64xi32, #tpu.memory_space<vmem>>) semaphore(%arg14 : memref<!tpu.dma_semaphore, #tpu.memory_space<semaphore_mem>>)
      %add3A_530 = arith.constant 7 : i32
      %add3A_531 = arith.addi %mul3A_141, %add3A_530 : i32
      %jit3A_532 = arith.constant 8 : i32
      %div3A_533 = arith.divsi %add3A_531, %jit3A_532 : i32
      %sign3A_534 = arith.constant 0 : i32
      %sign3A_535 = arith.cmpi sgt, %add3A_531, %sign3A_534 : i32
      %sign3A_536 = arith.extui %sign3A_535 : i1 to i32
      %sign3A_537 = arith.constant 0 : i32
      %sign3A_538 = arith.cmpi slt, %add3A_531, %sign3A_537 : i32
      %sign3A_539 = arith.extui %sign3A_538 : i1 to i32
      %sign3A_540 = arith.subi %sign3A_536, %sign3A_539 : i32
      %sign3A_541 = arith.constant 0 : i32
      %sign3A_542 = arith.cmpi sgt, %jit3A_532, %sign3A_541 : i32
      %sign3A_543 = arith.extui %sign3A_542 : i1 to i32
      %sign3A_544 = arith.constant 0 : i32
      %sign3A_545 = arith.cmpi slt, %jit3A_532, %sign3A_544 : i32
      %sign3A_546 = arith.extui %sign3A_545 : i1 to i32
      %sign3A_547 = arith.subi %sign3A_543, %sign3A_546 : i32
      %ne3A_548 = arith.cmpi ne, %sign3A_540, %sign3A_547 : i32
      %rem3A_549 = arith.remsi %add3A_531, %jit3A_532 : i32
      %ne3A_550 = arith.constant 0 : i32
      %ne3A_551 = arith.cmpi ne, %rem3A_549, %ne3A_550 : i32
      %and3A_552 = arith.andi %ne3A_548, %ne3A_551 : i1
      %sub3A_553 = arith.constant 1 : i32
      %sub3A_554 = arith.subi %div3A_533, %sub3A_553 : i32
      %select_n3A_555 = arith.select %and3A_552, %sub3A_554, %div3A_533 : i32
      %jit3A_556 = arith.constant 8 : i32
      %eq3A_557 = arith.constant 0 : i32
      %eq3A_558 = arith.cmpi eq, %jit3A_556, %eq3A_557 : i32
      %jit3A_559 = arith.constant 1 : i32
      %select_n3A_560 = arith.select %eq3A_558, %jit3A_559, %jit3A_556 : i32
      %rem3A_561 = arith.remsi %add3A_531, %select_n3A_560 : i32
      %ne3A_562 = arith.constant 0 : i32
      %ne3A_563 = arith.cmpi ne, %rem3A_561, %ne3A_562 : i32
      %lt3A_564 = arith.constant 0 : i32
      %lt3A_565 = arith.cmpi slt, %rem3A_561, %lt3A_564 : i32
      %lt3A_566 = arith.constant 0 : i32
      %lt3A_567 = arith.cmpi slt, %select_n3A_560, %lt3A_566 : i32
      %ne3A_568 = arith.xori %lt3A_565, %lt3A_567 : i1
      %and3A_569 = arith.andi %ne3A_568, %ne3A_563 : i1
      %add3A_570 = arith.addi %rem3A_561, %select_n3A_560 : i32
      %select_n3A_571 = arith.select %and3A_569, %add3A_570, %rem3A_561 : i32
      %gt3A_572 = arith.constant 0 : i32
      %gt3A_573 = arith.cmpi sgt, %scan3A_139, %gt3A_572 : i32
      %convert_element_type3A_574 = arith.extui %gt3A_573 : i1 to i32
      %cond3A_575 = arith.constant 0 : i32
      %cond3A_576 = arith.cmpi ne, %convert_element_type3A_574, %cond3A_575 : i32
      scf.if %cond3A_576 {
        %dma_wait3A_931 = arith.constant 0 : i32
        %dma_wait3A_932 = arith.constant 448 : i32
        %dma_wait3A_933 = arith.constant 0 : i32
        %dma_wait3A_934 = tpu.memref_slice %arg6[%dma_wait3A_932, %dma_wait3A_933] : memref<640x128xf32, #tpu.memory_space<vmem>> -> memref<64x128xf32, #tpu.memory_space<vmem>>
        %dma_wait3A_935 = arith.constant 0 : i32
        %dma_wait3A_936 = tpu.memref_slice %arg4[%dma_wait3A_931, %mul3A_2, %dma_wait3A_935] : memref<50x16384x128xf32, #tpu.memory_space<hbm>> -> memref<1x64x128xf32, #tpu.memory_space<hbm>>
        %dma_wait3A_937 = tpu.memref_squeeze %dma_wait3A_936 : memref<1x64x128xf32, #tpu.memory_space<hbm>> -> memref<64x128xf32, #tpu.memory_space<hbm>>
        %dma_wait3A_938 = arith.constant 0 : i32
        %dma_wait3A_939 = tpu.memref_slice %arg4[%dma_wait3A_931, %mul3A_2, %dma_wait3A_938] : memref<50x16384x128xf32, #tpu.memory_space<hbm>> -> memref<1x64x128xf32, #tpu.memory_space<hbm>>
        %dma_wait3A_940 = tpu.memref_squeeze %dma_wait3A_939 : memref<1x64x128xf32, #tpu.memory_space<hbm>> -> memref<64x128xf32, #tpu.memory_space<hbm>>
        %dma_wait3A_941 = arith.constant 448 : i32
        %dma_wait3A_942 = arith.constant 0 : i32
        %dma_wait3A_943 = tpu.memref_slice %arg6[%dma_wait3A_941, %dma_wait3A_942] : memref<640x128xf32, #tpu.memory_space<vmem>> -> memref<64x128xf32, #tpu.memory_space<vmem>>
        tpu.wait_dma2 semaphore(%arg25 : memref<!tpu.dma_semaphore, #tpu.memory_space<semaphore_mem>>) src(%dma_wait3A_943 : memref<64x128xf32, #tpu.memory_space<vmem>>) dst(%dma_wait3A_940 : memref<64x128xf32, #tpu.memory_space<hbm>>)
      } else {
      }
      %mul3A_577 = arith.constant 64 : i32
      %mul3A_578 = arith.muli %select_n3A_571, %mul3A_577 : i32
      %dma_start3A_579 = arith.constant 448 : i32
      %dma_start3A_580 = arith.constant 0 : i32
      %dma_start3A_581 = tpu.memref_slice %arg6[%dma_start3A_579, %dma_start3A_580] : memref<640x128xf32, #tpu.memory_space<vmem>> -> memref<64x128xf32, #tpu.memory_space<vmem>>
      %dma_start3A_582 = tpu.memref_slice %arg5[%select_n3A_555, %mul3A_578] : memref<50x512xi32, #tpu.memory_space<vmem>> -> memref<1x64xi32, #tpu.memory_space<vmem>>
      %dma_start3A_583 = tpu.memref_squeeze %dma_start3A_582 : memref<1x64xi32, #tpu.memory_space<vmem>> -> memref<64xi32, #tpu.memory_space<vmem>>
      %dma_start3A_584 = arith.constant 0 : i32
      %dma_start3A_585 = arith.constant 0 : i32
      %dma_start3A_586 = tpu.memref_slice %arg7[%dma_start3A_584, %dma_start3A_585] : memref<129x128xf32, #tpu.memory_space<vmem_shared>> -> memref<129x128xf32, #tpu.memory_space<vmem_shared>>
      tpu.enqueue_indirect_dma source(%dma_start3A_586 : memref<129x128xf32, #tpu.memory_space<vmem_shared>>) target(%dma_start3A_581 : memref<64x128xf32, #tpu.memory_space<vmem>>) offsets(%dma_start3A_583 : memref<64xi32, #tpu.memory_space<vmem>>) semaphore(%arg15 : memref<!tpu.dma_semaphore, #tpu.memory_space<semaphore_mem>>)
      %add3A_587 = arith.constant 8 : i32
      %add3A_588 = arith.addi %mul3A_141, %add3A_587 : i32
      %jit3A_589 = arith.constant 8 : i32
      %div3A_590 = arith.divsi %add3A_588, %jit3A_589 : i32
      %sign3A_591 = arith.constant 0 : i32
      %sign3A_592 = arith.cmpi sgt, %add3A_588, %sign3A_591 : i32
      %sign3A_593 = arith.extui %sign3A_592 : i1 to i32
      %sign3A_594 = arith.constant 0 : i32
      %sign3A_595 = arith.cmpi slt, %add3A_588, %sign3A_594 : i32
      %sign3A_596 = arith.extui %sign3A_595 : i1 to i32
      %sign3A_597 = arith.subi %sign3A_593, %sign3A_596 : i32
      %sign3A_598 = arith.constant 0 : i32
      %sign3A_599 = arith.cmpi sgt, %jit3A_589, %sign3A_598 : i32
      %sign3A_600 = arith.extui %sign3A_599 : i1 to i32
      %sign3A_601 = arith.constant 0 : i32
      %sign3A_602 = arith.cmpi slt, %jit3A_589, %sign3A_601 : i32
      %sign3A_603 = arith.extui %sign3A_602 : i1 to i32
      %sign3A_604 = arith.subi %sign3A_600, %sign3A_603 : i32
      %ne3A_605 = arith.cmpi ne, %sign3A_597, %sign3A_604 : i32
      %rem3A_606 = arith.remsi %add3A_588, %jit3A_589 : i32
      %ne3A_607 = arith.constant 0 : i32
      %ne3A_608 = arith.cmpi ne, %rem3A_606, %ne3A_607 : i32
      %and3A_609 = arith.andi %ne3A_605, %ne3A_608 : i1
      %sub3A_610 = arith.constant 1 : i32
      %sub3A_611 = arith.subi %div3A_590, %sub3A_610 : i32
      %select_n3A_612 = arith.select %and3A_609, %sub3A_611, %div3A_590 : i32
      %jit3A_613 = arith.constant 8 : i32
      %eq3A_614 = arith.constant 0 : i32
      %eq3A_615 = arith.cmpi eq, %jit3A_613, %eq3A_614 : i32
      %jit3A_616 = arith.constant 1 : i32
      %select_n3A_617 = arith.select %eq3A_615, %jit3A_616, %jit3A_613 : i32
      %rem3A_618 = arith.remsi %add3A_588, %select_n3A_617 : i32
      %ne3A_619 = arith.constant 0 : i32
      %ne3A_620 = arith.cmpi ne, %rem3A_618, %ne3A_619 : i32
      %lt3A_621 = arith.constant 0 : i32
      %lt3A_622 = arith.cmpi slt, %rem3A_618, %lt3A_621 : i32
      %lt3A_623 = arith.constant 0 : i32
      %lt3A_624 = arith.cmpi slt, %select_n3A_617, %lt3A_623 : i32
      %ne3A_625 = arith.xori %lt3A_622, %lt3A_624 : i1
      %and3A_626 = arith.andi %ne3A_625, %ne3A_620 : i1
      %add3A_627 = arith.addi %rem3A_618, %select_n3A_617 : i32
      %select_n3A_628 = arith.select %and3A_626, %add3A_627, %rem3A_618 : i32
      %gt3A_629 = arith.constant 0 : i32
      %gt3A_630 = arith.cmpi sgt, %scan3A_139, %gt3A_629 : i32
      %convert_element_type3A_631 = arith.extui %gt3A_630 : i1 to i32
      %cond3A_632 = arith.constant 0 : i32
      %cond3A_633 = arith.cmpi ne, %convert_element_type3A_631, %cond3A_632 : i32
      scf.if %cond3A_633 {
        %dma_wait3A_931 = arith.constant 0 : i32
        %dma_wait3A_932 = arith.constant 512 : i32
        %dma_wait3A_933 = arith.constant 0 : i32
        %dma_wait3A_934 = tpu.memref_slice %arg6[%dma_wait3A_932, %dma_wait3A_933] : memref<640x128xf32, #tpu.memory_space<vmem>> -> memref<64x128xf32, #tpu.memory_space<vmem>>
        %dma_wait3A_935 = arith.constant 0 : i32
        %dma_wait3A_936 = tpu.memref_slice %arg4[%dma_wait3A_931, %mul3A_2, %dma_wait3A_935] : memref<50x16384x128xf32, #tpu.memory_space<hbm>> -> memref<1x64x128xf32, #tpu.memory_space<hbm>>
        %dma_wait3A_937 = tpu.memref_squeeze %dma_wait3A_936 : memref<1x64x128xf32, #tpu.memory_space<hbm>> -> memref<64x128xf32, #tpu.memory_space<hbm>>
        %dma_wait3A_938 = arith.constant 0 : i32
        %dma_wait3A_939 = tpu.memref_slice %arg4[%dma_wait3A_931, %mul3A_2, %dma_wait3A_938] : memref<50x16384x128xf32, #tpu.memory_space<hbm>> -> memref<1x64x128xf32, #tpu.memory_space<hbm>>
        %dma_wait3A_940 = tpu.memref_squeeze %dma_wait3A_939 : memref<1x64x128xf32, #tpu.memory_space<hbm>> -> memref<64x128xf32, #tpu.memory_space<hbm>>
        %dma_wait3A_941 = arith.constant 512 : i32
        %dma_wait3A_942 = arith.constant 0 : i32
        %dma_wait3A_943 = tpu.memref_slice %arg6[%dma_wait3A_941, %dma_wait3A_942] : memref<640x128xf32, #tpu.memory_space<vmem>> -> memref<64x128xf32, #tpu.memory_space<vmem>>
        tpu.wait_dma2 semaphore(%arg26 : memref<!tpu.dma_semaphore, #tpu.memory_space<semaphore_mem>>) src(%dma_wait3A_943 : memref<64x128xf32, #tpu.memory_space<vmem>>) dst(%dma_wait3A_940 : memref<64x128xf32, #tpu.memory_space<hbm>>)
      } else {
      }
      %mul3A_634 = arith.constant 64 : i32
      %mul3A_635 = arith.muli %select_n3A_628, %mul3A_634 : i32
      %dma_start3A_636 = arith.constant 512 : i32
      %dma_start3A_637 = arith.constant 0 : i32
      %dma_start3A_638 = tpu.memref_slice %arg6[%dma_start3A_636, %dma_start3A_637] : memref<640x128xf32, #tpu.memory_space<vmem>> -> memref<64x128xf32, #tpu.memory_space<vmem>>
      %dma_start3A_639 = tpu.memref_slice %arg5[%select_n3A_612, %mul3A_635] : memref<50x512xi32, #tpu.memory_space<vmem>> -> memref<1x64xi32, #tpu.memory_space<vmem>>
      %dma_start3A_640 = tpu.memref_squeeze %dma_start3A_639 : memref<1x64xi32, #tpu.memory_space<vmem>> -> memref<64xi32, #tpu.memory_space<vmem>>
      %dma_start3A_641 = arith.constant 0 : i32
      %dma_start3A_642 = arith.constant 0 : i32
      %dma_start3A_643 = tpu.memref_slice %arg7[%dma_start3A_641, %dma_start3A_642] : memref<129x128xf32, #tpu.memory_space<vmem_shared>> -> memref<129x128xf32, #tpu.memory_space<vmem_shared>>
      tpu.enqueue_indirect_dma source(%dma_start3A_643 : memref<129x128xf32, #tpu.memory_space<vmem_shared>>) target(%dma_start3A_638 : memref<64x128xf32, #tpu.memory_space<vmem>>) offsets(%dma_start3A_640 : memref<64xi32, #tpu.memory_space<vmem>>) semaphore(%arg16 : memref<!tpu.dma_semaphore, #tpu.memory_space<semaphore_mem>>)
      %add3A_644 = arith.constant 9 : i32
      %add3A_645 = arith.addi %mul3A_141, %add3A_644 : i32
      %jit3A_646 = arith.constant 8 : i32
      %div3A_647 = arith.divsi %add3A_645, %jit3A_646 : i32
      %sign3A_648 = arith.constant 0 : i32
      %sign3A_649 = arith.cmpi sgt, %add3A_645, %sign3A_648 : i32
      %sign3A_650 = arith.extui %sign3A_649 : i1 to i32
      %sign3A_651 = arith.constant 0 : i32
      %sign3A_652 = arith.cmpi slt, %add3A_645, %sign3A_651 : i32
      %sign3A_653 = arith.extui %sign3A_652 : i1 to i32
      %sign3A_654 = arith.subi %sign3A_650, %sign3A_653 : i32
      %sign3A_655 = arith.constant 0 : i32
      %sign3A_656 = arith.cmpi sgt, %jit3A_646, %sign3A_655 : i32
      %sign3A_657 = arith.extui %sign3A_656 : i1 to i32
      %sign3A_658 = arith.constant 0 : i32
      %sign3A_659 = arith.cmpi slt, %jit3A_646, %sign3A_658 : i32
      %sign3A_660 = arith.extui %sign3A_659 : i1 to i32
      %sign3A_661 = arith.subi %sign3A_657, %sign3A_660 : i32
      %ne3A_662 = arith.cmpi ne, %sign3A_654, %sign3A_661 : i32
      %rem3A_663 = arith.remsi %add3A_645, %jit3A_646 : i32
      %ne3A_664 = arith.constant 0 : i32
      %ne3A_665 = arith.cmpi ne, %rem3A_663, %ne3A_664 : i32
      %and3A_666 = arith.andi %ne3A_662, %ne3A_665 : i1
      %sub3A_667 = arith.constant 1 : i32
      %sub3A_668 = arith.subi %div3A_647, %sub3A_667 : i32
      %select_n3A_669 = arith.select %and3A_666, %sub3A_668, %div3A_647 : i32
      %jit3A_670 = arith.constant 8 : i32
      %eq3A_671 = arith.constant 0 : i32
      %eq3A_672 = arith.cmpi eq, %jit3A_670, %eq3A_671 : i32
      %jit3A_673 = arith.constant 1 : i32
      %select_n3A_674 = arith.select %eq3A_672, %jit3A_673, %jit3A_670 : i32
      %rem3A_675 = arith.remsi %add3A_645, %select_n3A_674 : i32
      %ne3A_676 = arith.constant 0 : i32
      %ne3A_677 = arith.cmpi ne, %rem3A_675, %ne3A_676 : i32
      %lt3A_678 = arith.constant 0 : i32
      %lt3A_679 = arith.cmpi slt, %rem3A_675, %lt3A_678 : i32
      %lt3A_680 = arith.constant 0 : i32
      %lt3A_681 = arith.cmpi slt, %select_n3A_674, %lt3A_680 : i32
      %ne3A_682 = arith.xori %lt3A_679, %lt3A_681 : i1
      %and3A_683 = arith.andi %ne3A_682, %ne3A_677 : i1
      %add3A_684 = arith.addi %rem3A_675, %select_n3A_674 : i32
      %select_n3A_685 = arith.select %and3A_683, %add3A_684, %rem3A_675 : i32
      %gt3A_686 = arith.constant 0 : i32
      %gt3A_687 = arith.cmpi sgt, %scan3A_139, %gt3A_686 : i32
      %convert_element_type3A_688 = arith.extui %gt3A_687 : i1 to i32
      %cond3A_689 = arith.constant 0 : i32
      %cond3A_690 = arith.cmpi ne, %convert_element_type3A_688, %cond3A_689 : i32
      scf.if %cond3A_690 {
        %dma_wait3A_931 = arith.constant 0 : i32
        %dma_wait3A_932 = arith.constant 576 : i32
        %dma_wait3A_933 = arith.constant 0 : i32
        %dma_wait3A_934 = tpu.memref_slice %arg6[%dma_wait3A_932, %dma_wait3A_933] : memref<640x128xf32, #tpu.memory_space<vmem>> -> memref<64x128xf32, #tpu.memory_space<vmem>>
        %dma_wait3A_935 = arith.constant 0 : i32
        %dma_wait3A_936 = tpu.memref_slice %arg4[%dma_wait3A_931, %mul3A_2, %dma_wait3A_935] : memref<50x16384x128xf32, #tpu.memory_space<hbm>> -> memref<1x64x128xf32, #tpu.memory_space<hbm>>
        %dma_wait3A_937 = tpu.memref_squeeze %dma_wait3A_936 : memref<1x64x128xf32, #tpu.memory_space<hbm>> -> memref<64x128xf32, #tpu.memory_space<hbm>>
        %dma_wait3A_938 = arith.constant 0 : i32
        %dma_wait3A_939 = tpu.memref_slice %arg4[%dma_wait3A_931, %mul3A_2, %dma_wait3A_938] : memref<50x16384x128xf32, #tpu.memory_space<hbm>> -> memref<1x64x128xf32, #tpu.memory_space<hbm>>
        %dma_wait3A_940 = tpu.memref_squeeze %dma_wait3A_939 : memref<1x64x128xf32, #tpu.memory_space<hbm>> -> memref<64x128xf32, #tpu.memory_space<hbm>>
        %dma_wait3A_941 = arith.constant 576 : i32
        %dma_wait3A_942 = arith.constant 0 : i32
        %dma_wait3A_943 = tpu.memref_slice %arg6[%dma_wait3A_941, %dma_wait3A_942] : memref<640x128xf32, #tpu.memory_space<vmem>> -> memref<64x128xf32, #tpu.memory_space<vmem>>
        tpu.wait_dma2 semaphore(%arg27 : memref<!tpu.dma_semaphore, #tpu.memory_space<semaphore_mem>>) src(%dma_wait3A_943 : memref<64x128xf32, #tpu.memory_space<vmem>>) dst(%dma_wait3A_940 : memref<64x128xf32, #tpu.memory_space<hbm>>)
      } else {
      }
      %mul3A_691 = arith.constant 64 : i32
      %mul3A_692 = arith.muli %select_n3A_685, %mul3A_691 : i32
      %dma_start3A_693 = arith.constant 576 : i32
      %dma_start3A_694 = arith.constant 0 : i32
      %dma_start3A_695 = tpu.memref_slice %arg6[%dma_start3A_693, %dma_start3A_694] : memref<640x128xf32, #tpu.memory_space<vmem>> -> memref<64x128xf32, #tpu.memory_space<vmem>>
      %dma_start3A_696 = tpu.memref_slice %arg5[%select_n3A_669, %mul3A_692] : memref<50x512xi32, #tpu.memory_space<vmem>> -> memref<1x64xi32, #tpu.memory_space<vmem>>
      %dma_start3A_697 = tpu.memref_squeeze %dma_start3A_696 : memref<1x64xi32, #tpu.memory_space<vmem>> -> memref<64xi32, #tpu.memory_space<vmem>>
      %dma_start3A_698 = arith.constant 0 : i32
      %dma_start3A_699 = arith.constant 0 : i32
      %dma_start3A_700 = tpu.memref_slice %arg7[%dma_start3A_698, %dma_start3A_699] : memref<129x128xf32, #tpu.memory_space<vmem_shared>> -> memref<129x128xf32, #tpu.memory_space<vmem_shared>>
      tpu.enqueue_indirect_dma source(%dma_start3A_700 : memref<129x128xf32, #tpu.memory_space<vmem_shared>>) target(%dma_start3A_695 : memref<64x128xf32, #tpu.memory_space<vmem>>) offsets(%dma_start3A_697 : memref<64xi32, #tpu.memory_space<vmem>>) semaphore(%arg17 : memref<!tpu.dma_semaphore, #tpu.memory_space<semaphore_mem>>)
      %dma_wait3A_701 = arith.constant 0 : i32
      %dma_wait3A_702 = arith.constant 0 : i32
      %dma_wait3A_703 = tpu.memref_slice %arg6[%dma_wait3A_701, %dma_wait3A_702] : memref<640x128xf32, #tpu.memory_space<vmem>> -> memref<64x128xf32, #tpu.memory_space<vmem>>
      %dma_wait3A_704 = tpu.memref_slice %arg5[%select_n3A, %mul3A_180] : memref<50x512xi32, #tpu.memory_space<vmem>> -> memref<1x64xi32, #tpu.memory_space<vmem>>
      %dma_wait3A_705 = tpu.memref_squeeze %dma_wait3A_704 : memref<1x64xi32, #tpu.memory_space<vmem>> -> memref<64xi32, #tpu.memory_space<vmem>>
      %dma_wait3A_706 = arith.constant 0 : i32
      %dma_wait3A_707 = arith.constant 0 : i32
      %dma_wait3A_708 = tpu.memref_slice %arg7[%dma_wait3A_706, %dma_wait3A_707] : memref<129x128xf32, #tpu.memory_space<vmem_shared>> -> memref<129x128xf32, #tpu.memory_space<vmem_shared>>
      tpu.wait_indirect_dma semaphore(%arg8 : memref<!tpu.dma_semaphore, #tpu.memory_space<semaphore_mem>>) src(%dma_wait3A_708 : memref<129x128xf32, #tpu.memory_space<vmem_shared>>) dst(%dma_wait3A_703 : memref<64x128xf32, #tpu.memory_space<vmem>>)
      %mul3A_709 = arith.constant 64 : i32
      %mul3A_710 = arith.muli %select_n3A_174, %mul3A_709 : i32
      %add3A_711 = arith.addi %mul3A_2, %mul3A_710 : i32
      %dma_start3A_712 = arith.constant 0 : i32
      %dma_start3A_713 = arith.constant 0 : i32
      %dma_start3A_714 = tpu.memref_slice %arg6[%dma_start3A_712, %dma_start3A_713] : memref<640x128xf32, #tpu.memory_space<vmem>> -> memref<64x128xf32, #tpu.memory_space<vmem>>
      %dma_start3A_715 = arith.constant 0 : i32
      %dma_start3A_716 = tpu.memref_slice %arg4[%select_n3A, %add3A_711, %dma_start3A_715] : memref<50x16384x128xf32, #tpu.memory_space<hbm>> -> memref<1x64x128xf32, #tpu.memory_space<hbm>>
      %dma_start3A_717 = tpu.memref_squeeze %dma_start3A_716 : memref<1x64x128xf32, #tpu.memory_space<hbm>> -> memref<64x128xf32, #tpu.memory_space<hbm>>
      %dma_start3A_718 = arith.constant 0 : i32
      %dma_start3A_719 = tpu.memref_slice %arg4[%select_n3A, %add3A_711, %dma_start3A_718] : memref<50x16384x128xf32, #tpu.memory_space<hbm>> -> memref<1x64x128xf32, #tpu.memory_space<hbm>>
      %dma_start3A_720 = tpu.memref_squeeze %dma_start3A_719 : memref<1x64x128xf32, #tpu.memory_space<hbm>> -> memref<64x128xf32, #tpu.memory_space<hbm>>
      %dma_start3A_721 = arith.constant 0 : i32
      %dma_start3A_722 = arith.constant 0 : i32
      %dma_start3A_723 = tpu.memref_slice %arg6[%dma_start3A_721, %dma_start3A_722] : memref<640x128xf32, #tpu.memory_space<vmem>> -> memref<64x128xf32, #tpu.memory_space<vmem>>
      tpu.enqueue_dma source(%dma_start3A_723 : memref<64x128xf32, #tpu.memory_space<vmem>>) target(%dma_start3A_720 : memref<64x128xf32, #tpu.memory_space<hbm>>) target_semaphore(%arg18 : memref<!tpu.dma_semaphore, #tpu.memory_space<semaphore_mem>>)
      %dma_wait3A_724 = arith.constant 64 : i32
      %dma_wait3A_725 = arith.constant 0 : i32
      %dma_wait3A_726 = tpu.memref_slice %arg6[%dma_wait3A_724, %dma_wait3A_725] : memref<640x128xf32, #tpu.memory_space<vmem>> -> memref<64x128xf32, #tpu.memory_space<vmem>>
      %dma_wait3A_727 = tpu.memref_slice %arg5[%select_n3A_213, %mul3A_236] : memref<50x512xi32, #tpu.memory_space<vmem>> -> memref<1x64xi32, #tpu.memory_space<vmem>>
      %dma_wait3A_728 = tpu.memref_squeeze %dma_wait3A_727 : memref<1x64xi32, #tpu.memory_space<vmem>> -> memref<64xi32, #tpu.memory_space<vmem>>
      %dma_wait3A_729 = arith.constant 0 : i32
      %dma_wait3A_730 = arith.constant 0 : i32
      %dma_wait3A_731 = tpu.memref_slice %arg7[%dma_wait3A_729, %dma_wait3A_730] : memref<129x128xf32, #tpu.memory_space<vmem_shared>> -> memref<129x128xf32, #tpu.memory_space<vmem_shared>>
      tpu.wait_indirect_dma semaphore(%arg9 : memref<!tpu.dma_semaphore, #tpu.memory_space<semaphore_mem>>) src(%dma_wait3A_731 : memref<129x128xf32, #tpu.memory_space<vmem_shared>>) dst(%dma_wait3A_726 : memref<64x128xf32, #tpu.memory_space<vmem>>)
      %mul3A_732 = arith.constant 64 : i32
      %mul3A_733 = arith.muli %select_n3A_229, %mul3A_732 : i32
      %add3A_734 = arith.addi %mul3A_2, %mul3A_733 : i32
      %dma_start3A_735 = arith.constant 64 : i32
      %dma_start3A_736 = arith.constant 0 : i32
      %dma_start3A_737 = tpu.memref_slice %arg6[%dma_start3A_735, %dma_start3A_736] : memref<640x128xf32, #tpu.memory_space<vmem>> -> memref<64x128xf32, #tpu.memory_space<vmem>>
      %dma_start3A_738 = arith.constant 0 : i32
      %dma_start3A_739 = tpu.memref_slice %arg4[%select_n3A_213, %add3A_734, %dma_start3A_738] : memref<50x16384x128xf32, #tpu.memory_space<hbm>> -> memref<1x64x128xf32, #tpu.memory_space<hbm>>
      %dma_start3A_740 = tpu.memref_squeeze %dma_start3A_739 : memref<1x64x128xf32, #tpu.memory_space<hbm>> -> memref<64x128xf32, #tpu.memory_space<hbm>>
      %dma_start3A_741 = arith.constant 0 : i32
      %dma_start3A_742 = tpu.memref_slice %arg4[%select_n3A_213, %add3A_734, %dma_start3A_741] : memref<50x16384x128xf32, #tpu.memory_space<hbm>> -> memref<1x64x128xf32, #tpu.memory_space<hbm>>
      %dma_start3A_743 = tpu.memref_squeeze %dma_start3A_742 : memref<1x64x128xf32, #tpu.memory_space<hbm>> -> memref<64x128xf32, #tpu.memory_space<hbm>>
      %dma_start3A_744 = arith.constant 64 : i32
      %dma_start3A_745 = arith.constant 0 : i32
      %dma_start3A_746 = tpu.memref_slice %arg6[%dma_start3A_744, %dma_start3A_745] : memref<640x128xf32, #tpu.memory_space<vmem>> -> memref<64x128xf32, #tpu.memory_space<vmem>>
      tpu.enqueue_dma source(%dma_start3A_746 : memref<64x128xf32, #tpu.memory_space<vmem>>) target(%dma_start3A_743 : memref<64x128xf32, #tpu.memory_space<hbm>>) target_semaphore(%arg19 : memref<!tpu.dma_semaphore, #tpu.memory_space<semaphore_mem>>)
      %dma_wait3A_747 = arith.constant 128 : i32
      %dma_wait3A_748 = arith.constant 0 : i32
      %dma_wait3A_749 = tpu.memref_slice %arg6[%dma_wait3A_747, %dma_wait3A_748] : memref<640x128xf32, #tpu.memory_space<vmem>> -> memref<64x128xf32, #tpu.memory_space<vmem>>
      %dma_wait3A_750 = tpu.memref_slice %arg5[%select_n3A_270, %mul3A_293] : memref<50x512xi32, #tpu.memory_space<vmem>> -> memref<1x64xi32, #tpu.memory_space<vmem>>
      %dma_wait3A_751 = tpu.memref_squeeze %dma_wait3A_750 : memref<1x64xi32, #tpu.memory_space<vmem>> -> memref<64xi32, #tpu.memory_space<vmem>>
      %dma_wait3A_752 = arith.constant 0 : i32
      %dma_wait3A_753 = arith.constant 0 : i32
      %dma_wait3A_754 = tpu.memref_slice %arg7[%dma_wait3A_752, %dma_wait3A_753] : memref<129x128xf32, #tpu.memory_space<vmem_shared>> -> memref<129x128xf32, #tpu.memory_space<vmem_shared>>
      tpu.wait_indirect_dma semaphore(%arg10 : memref<!tpu.dma_semaphore, #tpu.memory_space<semaphore_mem>>) src(%dma_wait3A_754 : memref<129x128xf32, #tpu.memory_space<vmem_shared>>) dst(%dma_wait3A_749 : memref<64x128xf32, #tpu.memory_space<vmem>>)
      %mul3A_755 = arith.constant 64 : i32
      %mul3A_756 = arith.muli %select_n3A_286, %mul3A_755 : i32
      %add3A_757 = arith.addi %mul3A_2, %mul3A_756 : i32
      %dma_start3A_758 = arith.constant 128 : i32
      %dma_start3A_759 = arith.constant 0 : i32
      %dma_start3A_760 = tpu.memref_slice %arg6[%dma_start3A_758, %dma_start3A_759] : memref<640x128xf32, #tpu.memory_space<vmem>> -> memref<64x128xf32, #tpu.memory_space<vmem>>
      %dma_start3A_761 = arith.constant 0 : i32
      %dma_start3A_762 = tpu.memref_slice %arg4[%select_n3A_270, %add3A_757, %dma_start3A_761] : memref<50x16384x128xf32, #tpu.memory_space<hbm>> -> memref<1x64x128xf32, #tpu.memory_space<hbm>>
      %dma_start3A_763 = tpu.memref_squeeze %dma_start3A_762 : memref<1x64x128xf32, #tpu.memory_space<hbm>> -> memref<64x128xf32, #tpu.memory_space<hbm>>
      %dma_start3A_764 = arith.constant 0 : i32
      %dma_start3A_765 = tpu.memref_slice %arg4[%select_n3A_270, %add3A_757, %dma_start3A_764] : memref<50x16384x128xf32, #tpu.memory_space<hbm>> -> memref<1x64x128xf32, #tpu.memory_space<hbm>>
      %dma_start3A_766 = tpu.memref_squeeze %dma_start3A_765 : memref<1x64x128xf32, #tpu.memory_space<hbm>> -> memref<64x128xf32, #tpu.memory_space<hbm>>
      %dma_start3A_767 = arith.constant 128 : i32
      %dma_start3A_768 = arith.constant 0 : i32
      %dma_start3A_769 = tpu.memref_slice %arg6[%dma_start3A_767, %dma_start3A_768] : memref<640x128xf32, #tpu.memory_space<vmem>> -> memref<64x128xf32, #tpu.memory_space<vmem>>
      tpu.enqueue_dma source(%dma_start3A_769 : memref<64x128xf32, #tpu.memory_space<vmem>>) target(%dma_start3A_766 : memref<64x128xf32, #tpu.memory_space<hbm>>) target_semaphore(%arg20 : memref<!tpu.dma_semaphore, #tpu.memory_space<semaphore_mem>>)
      %dma_wait3A_770 = arith.constant 192 : i32
      %dma_wait3A_771 = arith.constant 0 : i32
      %dma_wait3A_772 = tpu.memref_slice %arg6[%dma_wait3A_770, %dma_wait3A_771] : memref<640x128xf32, #tpu.memory_space<vmem>> -> memref<64x128xf32, #tpu.memory_space<vmem>>
      %dma_wait3A_773 = tpu.memref_slice %arg5[%select_n3A_327, %mul3A_350] : memref<50x512xi32, #tpu.memory_space<vmem>> -> memref<1x64xi32, #tpu.memory_space<vmem>>
      %dma_wait3A_774 = tpu.memref_squeeze %dma_wait3A_773 : memref<1x64xi32, #tpu.memory_space<vmem>> -> memref<64xi32, #tpu.memory_space<vmem>>
      %dma_wait3A_775 = arith.constant 0 : i32
      %dma_wait3A_776 = arith.constant 0 : i32
      %dma_wait3A_777 = tpu.memref_slice %arg7[%dma_wait3A_775, %dma_wait3A_776] : memref<129x128xf32, #tpu.memory_space<vmem_shared>> -> memref<129x128xf32, #tpu.memory_space<vmem_shared>>
      tpu.wait_indirect_dma semaphore(%arg11 : memref<!tpu.dma_semaphore, #tpu.memory_space<semaphore_mem>>) src(%dma_wait3A_777 : memref<129x128xf32, #tpu.memory_space<vmem_shared>>) dst(%dma_wait3A_772 : memref<64x128xf32, #tpu.memory_space<vmem>>)
      %mul3A_778 = arith.constant 64 : i32
      %mul3A_779 = arith.muli %select_n3A_343, %mul3A_778 : i32
      %add3A_780 = arith.addi %mul3A_2, %mul3A_779 : i32
      %dma_start3A_781 = arith.constant 192 : i32
      %dma_start3A_782 = arith.constant 0 : i32
      %dma_start3A_783 = tpu.memref_slice %arg6[%dma_start3A_781, %dma_start3A_782] : memref<640x128xf32, #tpu.memory_space<vmem>> -> memref<64x128xf32, #tpu.memory_space<vmem>>
      %dma_start3A_784 = arith.constant 0 : i32
      %dma_start3A_785 = tpu.memref_slice %arg4[%select_n3A_327, %add3A_780, %dma_start3A_784] : memref<50x16384x128xf32, #tpu.memory_space<hbm>> -> memref<1x64x128xf32, #tpu.memory_space<hbm>>
      %dma_start3A_786 = tpu.memref_squeeze %dma_start3A_785 : memref<1x64x128xf32, #tpu.memory_space<hbm>> -> memref<64x128xf32, #tpu.memory_space<hbm>>
      %dma_start3A_787 = arith.constant 0 : i32
      %dma_start3A_788 = tpu.memref_slice %arg4[%select_n3A_327, %add3A_780, %dma_start3A_787] : memref<50x16384x128xf32, #tpu.memory_space<hbm>> -> memref<1x64x128xf32, #tpu.memory_space<hbm>>
      %dma_start3A_789 = tpu.memref_squeeze %dma_start3A_788 : memref<1x64x128xf32, #tpu.memory_space<hbm>> -> memref<64x128xf32, #tpu.memory_space<hbm>>
      %dma_start3A_790 = arith.constant 192 : i32
      %dma_start3A_791 = arith.constant 0 : i32
      %dma_start3A_792 = tpu.memref_slice %arg6[%dma_start3A_790, %dma_start3A_791] : memref<640x128xf32, #tpu.memory_space<vmem>> -> memref<64x128xf32, #tpu.memory_space<vmem>>
      tpu.enqueue_dma source(%dma_start3A_792 : memref<64x128xf32, #tpu.memory_space<vmem>>) target(%dma_start3A_789 : memref<64x128xf32, #tpu.memory_space<hbm>>) target_semaphore(%arg21 : memref<!tpu.dma_semaphore, #tpu.memory_space<semaphore_mem>>)
      %dma_wait3A_793 = arith.constant 256 : i32
      %dma_wait3A_794 = arith.constant 0 : i32
      %dma_wait3A_795 = tpu.memref_slice %arg6[%dma_wait3A_793, %dma_wait3A_794] : memref<640x128xf32, #tpu.memory_space<vmem>> -> memref<64x128xf32, #tpu.memory_space<vmem>>
      %dma_wait3A_796 = tpu.memref_slice %arg5[%select_n3A_384, %mul3A_407] : memref<50x512xi32, #tpu.memory_space<vmem>> -> memref<1x64xi32, #tpu.memory_space<vmem>>
      %dma_wait3A_797 = tpu.memref_squeeze %dma_wait3A_796 : memref<1x64xi32, #tpu.memory_space<vmem>> -> memref<64xi32, #tpu.memory_space<vmem>>
      %dma_wait3A_798 = arith.constant 0 : i32
      %dma_wait3A_799 = arith.constant 0 : i32
      %dma_wait3A_800 = tpu.memref_slice %arg7[%dma_wait3A_798, %dma_wait3A_799] : memref<129x128xf32, #tpu.memory_space<vmem_shared>> -> memref<129x128xf32, #tpu.memory_space<vmem_shared>>
      tpu.wait_indirect_dma semaphore(%arg12 : memref<!tpu.dma_semaphore, #tpu.memory_space<semaphore_mem>>) src(%dma_wait3A_800 : memref<129x128xf32, #tpu.memory_space<vmem_shared>>) dst(%dma_wait3A_795 : memref<64x128xf32, #tpu.memory_space<vmem>>)
      %mul3A_801 = arith.constant 64 : i32
      %mul3A_802 = arith.muli %select_n3A_400, %mul3A_801 : i32
      %add3A_803 = arith.addi %mul3A_2, %mul3A_802 : i32
      %dma_start3A_804 = arith.constant 256 : i32
      %dma_start3A_805 = arith.constant 0 : i32
      %dma_start3A_806 = tpu.memref_slice %arg6[%dma_start3A_804, %dma_start3A_805] : memref<640x128xf32, #tpu.memory_space<vmem>> -> memref<64x128xf32, #tpu.memory_space<vmem>>
      %dma_start3A_807 = arith.constant 0 : i32
      %dma_start3A_808 = tpu.memref_slice %arg4[%select_n3A_384, %add3A_803, %dma_start3A_807] : memref<50x16384x128xf32, #tpu.memory_space<hbm>> -> memref<1x64x128xf32, #tpu.memory_space<hbm>>
      %dma_start3A_809 = tpu.memref_squeeze %dma_start3A_808 : memref<1x64x128xf32, #tpu.memory_space<hbm>> -> memref<64x128xf32, #tpu.memory_space<hbm>>
      %dma_start3A_810 = arith.constant 0 : i32
      %dma_start3A_811 = tpu.memref_slice %arg4[%select_n3A_384, %add3A_803, %dma_start3A_810] : memref<50x16384x128xf32, #tpu.memory_space<hbm>> -> memref<1x64x128xf32, #tpu.memory_space<hbm>>
      %dma_start3A_812 = tpu.memref_squeeze %dma_start3A_811 : memref<1x64x128xf32, #tpu.memory_space<hbm>> -> memref<64x128xf32, #tpu.memory_space<hbm>>
      %dma_start3A_813 = arith.constant 256 : i32
      %dma_start3A_814 = arith.constant 0 : i32
      %dma_start3A_815 = tpu.memref_slice %arg6[%dma_start3A_813, %dma_start3A_814] : memref<640x128xf32, #tpu.memory_space<vmem>> -> memref<64x128xf32, #tpu.memory_space<vmem>>
      tpu.enqueue_dma source(%dma_start3A_815 : memref<64x128xf32, #tpu.memory_space<vmem>>) target(%dma_start3A_812 : memref<64x128xf32, #tpu.memory_space<hbm>>) target_semaphore(%arg22 : memref<!tpu.dma_semaphore, #tpu.memory_space<semaphore_mem>>)
      %dma_wait3A_816 = arith.constant 320 : i32
      %dma_wait3A_817 = arith.constant 0 : i32
      %dma_wait3A_818 = tpu.memref_slice %arg6[%dma_wait3A_816, %dma_wait3A_817] : memref<640x128xf32, #tpu.memory_space<vmem>> -> memref<64x128xf32, #tpu.memory_space<vmem>>
      %dma_wait3A_819 = tpu.memref_slice %arg5[%select_n3A_441, %mul3A_464] : memref<50x512xi32, #tpu.memory_space<vmem>> -> memref<1x64xi32, #tpu.memory_space<vmem>>
      %dma_wait3A_820 = tpu.memref_squeeze %dma_wait3A_819 : memref<1x64xi32, #tpu.memory_space<vmem>> -> memref<64xi32, #tpu.memory_space<vmem>>
      %dma_wait3A_821 = arith.constant 0 : i32
      %dma_wait3A_822 = arith.constant 0 : i32
      %dma_wait3A_823 = tpu.memref_slice %arg7[%dma_wait3A_821, %dma_wait3A_822] : memref<129x128xf32, #tpu.memory_space<vmem_shared>> -> memref<129x128xf32, #tpu.memory_space<vmem_shared>>
      tpu.wait_indirect_dma semaphore(%arg13 : memref<!tpu.dma_semaphore, #tpu.memory_space<semaphore_mem>>) src(%dma_wait3A_823 : memref<129x128xf32, #tpu.memory_space<vmem_shared>>) dst(%dma_wait3A_818 : memref<64x128xf32, #tpu.memory_space<vmem>>)
      %mul3A_824 = arith.constant 64 : i32
      %mul3A_825 = arith.muli %select_n3A_457, %mul3A_824 : i32
      %add3A_826 = arith.addi %mul3A_2, %mul3A_825 : i32
      %dma_start3A_827 = arith.constant 320 : i32
      %dma_start3A_828 = arith.constant 0 : i32
      %dma_start3A_829 = tpu.memref_slice %arg6[%dma_start3A_827, %dma_start3A_828] : memref<640x128xf32, #tpu.memory_space<vmem>> -> memref<64x128xf32, #tpu.memory_space<vmem>>
      %dma_start3A_830 = arith.constant 0 : i32
      %dma_start3A_831 = tpu.memref_slice %arg4[%select_n3A_441, %add3A_826, %dma_start3A_830] : memref<50x16384x128xf32, #tpu.memory_space<hbm>> -> memref<1x64x128xf32, #tpu.memory_space<hbm>>
      %dma_start3A_832 = tpu.memref_squeeze %dma_start3A_831 : memref<1x64x128xf32, #tpu.memory_space<hbm>> -> memref<64x128xf32, #tpu.memory_space<hbm>>
      %dma_start3A_833 = arith.constant 0 : i32
      %dma_start3A_834 = tpu.memref_slice %arg4[%select_n3A_441, %add3A_826, %dma_start3A_833] : memref<50x16384x128xf32, #tpu.memory_space<hbm>> -> memref<1x64x128xf32, #tpu.memory_space<hbm>>
      %dma_start3A_835 = tpu.memref_squeeze %dma_start3A_834 : memref<1x64x128xf32, #tpu.memory_space<hbm>> -> memref<64x128xf32, #tpu.memory_space<hbm>>
      %dma_start3A_836 = arith.constant 320 : i32
      %dma_start3A_837 = arith.constant 0 : i32
      %dma_start3A_838 = tpu.memref_slice %arg6[%dma_start3A_836, %dma_start3A_837] : memref<640x128xf32, #tpu.memory_space<vmem>> -> memref<64x128xf32, #tpu.memory_space<vmem>>
      tpu.enqueue_dma source(%dma_start3A_838 : memref<64x128xf32, #tpu.memory_space<vmem>>) target(%dma_start3A_835 : memref<64x128xf32, #tpu.memory_space<hbm>>) target_semaphore(%arg23 : memref<!tpu.dma_semaphore, #tpu.memory_space<semaphore_mem>>)
      %dma_wait3A_839 = arith.constant 384 : i32
      %dma_wait3A_840 = arith.constant 0 : i32
      %dma_wait3A_841 = tpu.memref_slice %arg6[%dma_wait3A_839, %dma_wait3A_840] : memref<640x128xf32, #tpu.memory_space<vmem>> -> memref<64x128xf32, #tpu.memory_space<vmem>>
      %dma_wait3A_842 = tpu.memref_slice %arg5[%select_n3A_498, %mul3A_521] : memref<50x512xi32, #tpu.memory_space<vmem>> -> memref<1x64xi32, #tpu.memory_space<vmem>>
      %dma_wait3A_843 = tpu.memref_squeeze %dma_wait3A_842 : memref<1x64xi32, #tpu.memory_space<vmem>> -> memref<64xi32, #tpu.memory_space<vmem>>
      %dma_wait3A_844 = arith.constant 0 : i32
      %dma_wait3A_845 = arith.constant 0 : i32
      %dma_wait3A_846 = tpu.memref_slice %arg7[%dma_wait3A_844, %dma_wait3A_845] : memref<129x128xf32, #tpu.memory_space<vmem_shared>> -> memref<129x128xf32, #tpu.memory_space<vmem_shared>>
      tpu.wait_indirect_dma semaphore(%arg14 : memref<!tpu.dma_semaphore, #tpu.memory_space<semaphore_mem>>) src(%dma_wait3A_846 : memref<129x128xf32, #tpu.memory_space<vmem_shared>>) dst(%dma_wait3A_841 : memref<64x128xf32, #tpu.memory_space<vmem>>)
      %mul3A_847 = arith.constant 64 : i32
      %mul3A_848 = arith.muli %select_n3A_514, %mul3A_847 : i32
      %add3A_849 = arith.addi %mul3A_2, %mul3A_848 : i32
      %dma_start3A_850 = arith.constant 384 : i32
      %dma_start3A_851 = arith.constant 0 : i32
      %dma_start3A_852 = tpu.memref_slice %arg6[%dma_start3A_850, %dma_start3A_851] : memref<640x128xf32, #tpu.memory_space<vmem>> -> memref<64x128xf32, #tpu.memory_space<vmem>>
      %dma_start3A_853 = arith.constant 0 : i32
      %dma_start3A_854 = tpu.memref_slice %arg4[%select_n3A_498, %add3A_849, %dma_start3A_853] : memref<50x16384x128xf32, #tpu.memory_space<hbm>> -> memref<1x64x128xf32, #tpu.memory_space<hbm>>
      %dma_start3A_855 = tpu.memref_squeeze %dma_start3A_854 : memref<1x64x128xf32, #tpu.memory_space<hbm>> -> memref<64x128xf32, #tpu.memory_space<hbm>>
      %dma_start3A_856 = arith.constant 0 : i32
      %dma_start3A_857 = tpu.memref_slice %arg4[%select_n3A_498, %add3A_849, %dma_start3A_856] : memref<50x16384x128xf32, #tpu.memory_space<hbm>> -> memref<1x64x128xf32, #tpu.memory_space<hbm>>
      %dma_start3A_858 = tpu.memref_squeeze %dma_start3A_857 : memref<1x64x128xf32, #tpu.memory_space<hbm>> -> memref<64x128xf32, #tpu.memory_space<hbm>>
      %dma_start3A_859 = arith.constant 384 : i32
      %dma_start3A_860 = arith.constant 0 : i32
      %dma_start3A_861 = tpu.memref_slice %arg6[%dma_start3A_859, %dma_start3A_860] : memref<640x128xf32, #tpu.memory_space<vmem>> -> memref<64x128xf32, #tpu.memory_space<vmem>>
      tpu.enqueue_dma source(%dma_start3A_861 : memref<64x128xf32, #tpu.memory_space<vmem>>) target(%dma_start3A_858 : memref<64x128xf32, #tpu.memory_space<hbm>>) target_semaphore(%arg24 : memref<!tpu.dma_semaphore, #tpu.memory_space<semaphore_mem>>)
      %dma_wait3A_862 = arith.constant 448 : i32
      %dma_wait3A_863 = arith.constant 0 : i32
      %dma_wait3A_864 = tpu.memref_slice %arg6[%dma_wait3A_862, %dma_wait3A_863] : memref<640x128xf32, #tpu.memory_space<vmem>> -> memref<64x128xf32, #tpu.memory_space<vmem>>
      %dma_wait3A_865 = tpu.memref_slice %arg5[%select_n3A_555, %mul3A_578] : memref<50x512xi32, #tpu.memory_space<vmem>> -> memref<1x64xi32, #tpu.memory_space<vmem>>
      %dma_wait3A_866 = tpu.memref_squeeze %dma_wait3A_865 : memref<1x64xi32, #tpu.memory_space<vmem>> -> memref<64xi32, #tpu.memory_space<vmem>>
      %dma_wait3A_867 = arith.constant 0 : i32
      %dma_wait3A_868 = arith.constant 0 : i32
      %dma_wait3A_869 = tpu.memref_slice %arg7[%dma_wait3A_867, %dma_wait3A_868] : memref<129x128xf32, #tpu.memory_space<vmem_shared>> -> memref<129x128xf32, #tpu.memory_space<vmem_shared>>
      tpu.wait_indirect_dma semaphore(%arg15 : memref<!tpu.dma_semaphore, #tpu.memory_space<semaphore_mem>>) src(%dma_wait3A_869 : memref<129x128xf32, #tpu.memory_space<vmem_shared>>) dst(%dma_wait3A_864 : memref<64x128xf32, #tpu.memory_space<vmem>>)
      %mul3A_870 = arith.constant 64 : i32
      %mul3A_871 = arith.muli %select_n3A_571, %mul3A_870 : i32
      %add3A_872 = arith.addi %mul3A_2, %mul3A_871 : i32
      %dma_start3A_873 = arith.constant 448 : i32
      %dma_start3A_874 = arith.constant 0 : i32
      %dma_start3A_875 = tpu.memref_slice %arg6[%dma_start3A_873, %dma_start3A_874] : memref<640x128xf32, #tpu.memory_space<vmem>> -> memref<64x128xf32, #tpu.memory_space<vmem>>
      %dma_start3A_876 = arith.constant 0 : i32
      %dma_start3A_877 = tpu.memref_slice %arg4[%select_n3A_555, %add3A_872, %dma_start3A_876] : memref<50x16384x128xf32, #tpu.memory_space<hbm>> -> memref<1x64x128xf32, #tpu.memory_space<hbm>>
      %dma_start3A_878 = tpu.memref_squeeze %dma_start3A_877 : memref<1x64x128xf32, #tpu.memory_space<hbm>> -> memref<64x128xf32, #tpu.memory_space<hbm>>
      %dma_start3A_879 = arith.constant 0 : i32
      %dma_start3A_880 = tpu.memref_slice %arg4[%select_n3A_555, %add3A_872, %dma_start3A_879] : memref<50x16384x128xf32, #tpu.memory_space<hbm>> -> memref<1x64x128xf32, #tpu.memory_space<hbm>>
      %dma_start3A_881 = tpu.memref_squeeze %dma_start3A_880 : memref<1x64x128xf32, #tpu.memory_space<hbm>> -> memref<64x128xf32, #tpu.memory_space<hbm>>
      %dma_start3A_882 = arith.constant 448 : i32
      %dma_start3A_883 = arith.constant 0 : i32
      %dma_start3A_884 = tpu.memref_slice %arg6[%dma_start3A_882, %dma_start3A_883] : memref<640x128xf32, #tpu.memory_space<vmem>> -> memref<64x128xf32, #tpu.memory_space<vmem>>
      tpu.enqueue_dma source(%dma_start3A_884 : memref<64x128xf32, #tpu.memory_space<vmem>>) target(%dma_start3A_881 : memref<64x128xf32, #tpu.memory_space<hbm>>) target_semaphore(%arg25 : memref<!tpu.dma_semaphore, #tpu.memory_space<semaphore_mem>>)
      %dma_wait3A_885 = arith.constant 512 : i32
      %dma_wait3A_886 = arith.constant 0 : i32
      %dma_wait3A_887 = tpu.memref_slice %arg6[%dma_wait3A_885, %dma_wait3A_886] : memref<640x128xf32, #tpu.memory_space<vmem>> -> memref<64x128xf32, #tpu.memory_space<vmem>>
      %dma_wait3A_888 = tpu.memref_slice %arg5[%select_n3A_612, %mul3A_635] : memref<50x512xi32, #tpu.memory_space<vmem>> -> memref<1x64xi32, #tpu.memory_space<vmem>>
      %dma_wait3A_889 = tpu.memref_squeeze %dma_wait3A_888 : memref<1x64xi32, #tpu.memory_space<vmem>> -> memref<64xi32, #tpu.memory_space<vmem>>
      %dma_wait3A_890 = arith.constant 0 : i32
      %dma_wait3A_891 = arith.constant 0 : i32
      %dma_wait3A_892 = tpu.memref_slice %arg7[%dma_wait3A_890, %dma_wait3A_891] : memref<129x128xf32, #tpu.memory_space<vmem_shared>> -> memref<129x128xf32, #tpu.memory_space<vmem_shared>>
      tpu.wait_indirect_dma semaphore(%arg16 : memref<!tpu.dma_semaphore, #tpu.memory_space<semaphore_mem>>) src(%dma_wait3A_892 : memref<129x128xf32, #tpu.memory_space<vmem_shared>>) dst(%dma_wait3A_887 : memref<64x128xf32, #tpu.memory_space<vmem>>)
      %mul3A_893 = arith.constant 64 : i32
      %mul3A_894 = arith.muli %select_n3A_628, %mul3A_893 : i32
      %add3A_895 = arith.addi %mul3A_2, %mul3A_894 : i32
      %dma_start3A_896 = arith.constant 512 : i32
      %dma_start3A_897 = arith.constant 0 : i32
      %dma_start3A_898 = tpu.memref_slice %arg6[%dma_start3A_896, %dma_start3A_897] : memref<640x128xf32, #tpu.memory_space<vmem>> -> memref<64x128xf32, #tpu.memory_space<vmem>>
      %dma_start3A_899 = arith.constant 0 : i32
      %dma_start3A_900 = tpu.memref_slice %arg4[%select_n3A_612, %add3A_895, %dma_start3A_899] : memref<50x16384x128xf32, #tpu.memory_space<hbm>> -> memref<1x64x128xf32, #tpu.memory_space<hbm>>
      %dma_start3A_901 = tpu.memref_squeeze %dma_start3A_900 : memref<1x64x128xf32, #tpu.memory_space<hbm>> -> memref<64x128xf32, #tpu.memory_space<hbm>>
      %dma_start3A_902 = arith.constant 0 : i32
      %dma_start3A_903 = tpu.memref_slice %arg4[%select_n3A_612, %add3A_895, %dma_start3A_902] : memref<50x16384x128xf32, #tpu.memory_space<hbm>> -> memref<1x64x128xf32, #tpu.memory_space<hbm>>
      %dma_start3A_904 = tpu.memref_squeeze %dma_start3A_903 : memref<1x64x128xf32, #tpu.memory_space<hbm>> -> memref<64x128xf32, #tpu.memory_space<hbm>>
      %dma_start3A_905 = arith.constant 512 : i32
      %dma_start3A_906 = arith.constant 0 : i32
      %dma_start3A_907 = tpu.memref_slice %arg6[%dma_start3A_905, %dma_start3A_906] : memref<640x128xf32, #tpu.memory_space<vmem>> -> memref<64x128xf32, #tpu.memory_space<vmem>>
      tpu.enqueue_dma source(%dma_start3A_907 : memref<64x128xf32, #tpu.memory_space<vmem>>) target(%dma_start3A_904 : memref<64x128xf32, #tpu.memory_space<hbm>>) target_semaphore(%arg26 : memref<!tpu.dma_semaphore, #tpu.memory_space<semaphore_mem>>)
      %dma_wait3A_908 = arith.constant 576 : i32
      %dma_wait3A_909 = arith.constant 0 : i32
      %dma_wait3A_910 = tpu.memref_slice %arg6[%dma_wait3A_908, %dma_wait3A_909] : memref<640x128xf32, #tpu.memory_space<vmem>> -> memref<64x128xf32, #tpu.memory_space<vmem>>
      %dma_wait3A_911 = tpu.memref_slice %arg5[%select_n3A_669, %mul3A_692] : memref<50x512xi32, #tpu.memory_space<vmem>> -> memref<1x64xi32, #tpu.memory_space<vmem>>
      %dma_wait3A_912 = tpu.memref_squeeze %dma_wait3A_911 : memref<1x64xi32, #tpu.memory_space<vmem>> -> memref<64xi32, #tpu.memory_space<vmem>>
      %dma_wait3A_913 = arith.constant 0 : i32
      %dma_wait3A_914 = arith.constant 0 : i32
      %dma_wait3A_915 = tpu.memref_slice %arg7[%dma_wait3A_913, %dma_wait3A_914] : memref<129x128xf32, #tpu.memory_space<vmem_shared>> -> memref<129x128xf32, #tpu.memory_space<vmem_shared>>
      tpu.wait_indirect_dma semaphore(%arg17 : memref<!tpu.dma_semaphore, #tpu.memory_space<semaphore_mem>>) src(%dma_wait3A_915 : memref<129x128xf32, #tpu.memory_space<vmem_shared>>) dst(%dma_wait3A_910 : memref<64x128xf32, #tpu.memory_space<vmem>>)
      %mul3A_916 = arith.constant 64 : i32
      %mul3A_917 = arith.muli %select_n3A_685, %mul3A_916 : i32
      %add3A_918 = arith.addi %mul3A_2, %mul3A_917 : i32
      %dma_start3A_919 = arith.constant 576 : i32
      %dma_start3A_920 = arith.constant 0 : i32
      %dma_start3A_921 = tpu.memref_slice %arg6[%dma_start3A_919, %dma_start3A_920] : memref<640x128xf32, #tpu.memory_space<vmem>> -> memref<64x128xf32, #tpu.memory_space<vmem>>
      %dma_start3A_922 = arith.constant 0 : i32
      %dma_start3A_923 = tpu.memref_slice %arg4[%select_n3A_669, %add3A_918, %dma_start3A_922] : memref<50x16384x128xf32, #tpu.memory_space<hbm>> -> memref<1x64x128xf32, #tpu.memory_space<hbm>>
      %dma_start3A_924 = tpu.memref_squeeze %dma_start3A_923 : memref<1x64x128xf32, #tpu.memory_space<hbm>> -> memref<64x128xf32, #tpu.memory_space<hbm>>
      %dma_start3A_925 = arith.constant 0 : i32
      %dma_start3A_926 = tpu.memref_slice %arg4[%select_n3A_669, %add3A_918, %dma_start3A_925] : memref<50x16384x128xf32, #tpu.memory_space<hbm>> -> memref<1x64x128xf32, #tpu.memory_space<hbm>>
      %dma_start3A_927 = tpu.memref_squeeze %dma_start3A_926 : memref<1x64x128xf32, #tpu.memory_space<hbm>> -> memref<64x128xf32, #tpu.memory_space<hbm>>
      %dma_start3A_928 = arith.constant 576 : i32
      %dma_start3A_929 = arith.constant 0 : i32
      %dma_start3A_930 = tpu.memref_slice %arg6[%dma_start3A_928, %dma_start3A_929] : memref<640x128xf32, #tpu.memory_space<vmem>> -> memref<64x128xf32, #tpu.memory_space<vmem>>
      tpu.enqueue_dma source(%dma_start3A_930 : memref<64x128xf32, #tpu.memory_space<vmem>>) target(%dma_start3A_927 : memref<64x128xf32, #tpu.memory_space<hbm>>) target_semaphore(%arg27 : memref<!tpu.dma_semaphore, #tpu.memory_space<semaphore_mem>>)
    }
    %scan3A_9 = arith.constant 40 : i32
    %dma_wait3A = arith.constant 0 : i32
    %dma_wait3A_10 = arith.constant 0 : i32
    %dma_wait3A_11 = arith.constant 0 : i32
    %dma_wait3A_12 = tpu.memref_slice %arg6[%dma_wait3A_10, %dma_wait3A_11] : memref<640x128xf32, #tpu.memory_space<vmem>> -> memref<64x128xf32, #tpu.memory_space<vmem>>
    %dma_wait3A_13 = arith.constant 0 : i32
    %dma_wait3A_14 = tpu.memref_slice %arg4[%dma_wait3A, %mul3A_2, %dma_wait3A_13] : memref<50x16384x128xf32, #tpu.memory_space<hbm>> -> memref<1x64x128xf32, #tpu.memory_space<hbm>>
    %dma_wait3A_15 = tpu.memref_squeeze %dma_wait3A_14 : memref<1x64x128xf32, #tpu.memory_space<hbm>> -> memref<64x128xf32, #tpu.memory_space<hbm>>
    %dma_wait3A_16 = arith.constant 0 : i32
    %dma_wait3A_17 = tpu.memref_slice %arg4[%dma_wait3A, %mul3A_2, %dma_wait3A_16] : memref<50x16384x128xf32, #tpu.memory_space<hbm>> -> memref<1x64x128xf32, #tpu.memory_space<hbm>>
    %dma_wait3A_18 = tpu.memref_squeeze %dma_wait3A_17 : memref<1x64x128xf32, #tpu.memory_space<hbm>> -> memref<64x128xf32, #tpu.memory_space<hbm>>
    %dma_wait3A_19 = arith.constant 0 : i32
    %dma_wait3A_20 = arith.constant 0 : i32
    %dma_wait3A_21 = tpu.memref_slice %arg6[%dma_wait3A_19, %dma_wait3A_20] : memref<640x128xf32, #tpu.memory_space<vmem>> -> memref<64x128xf32, #tpu.memory_space<vmem>>
    tpu.wait_dma2 semaphore(%arg18 : memref<!tpu.dma_semaphore, #tpu.memory_space<semaphore_mem>>) src(%dma_wait3A_21 : memref<64x128xf32, #tpu.memory_space<vmem>>) dst(%dma_wait3A_18 : memref<64x128xf32, #tpu.memory_space<hbm>>)
    %dma_wait3A_22 = arith.constant 0 : i32
    %dma_wait3A_23 = arith.constant 64 : i32
    %dma_wait3A_24 = arith.constant 0 : i32
    %dma_wait3A_25 = tpu.memref_slice %arg6[%dma_wait3A_23, %dma_wait3A_24] : memref<640x128xf32, #tpu.memory_space<vmem>> -> memref<64x128xf32, #tpu.memory_space<vmem>>
    %dma_wait3A_26 = arith.constant 0 : i32
    %dma_wait3A_27 = tpu.memref_slice %arg4[%dma_wait3A_22, %mul3A_2, %dma_wait3A_26] : memref<50x16384x128xf32, #tpu.memory_space<hbm>> -> memref<1x64x128xf32, #tpu.memory_space<hbm>>
    %dma_wait3A_28 = tpu.memref_squeeze %dma_wait3A_27 : memref<1x64x128xf32, #tpu.memory_space<hbm>> -> memref<64x128xf32, #tpu.memory_space<hbm>>
    %dma_wait3A_29 = arith.constant 0 : i32
    %dma_wait3A_30 = tpu.memref_slice %arg4[%dma_wait3A_22, %mul3A_2, %dma_wait3A_29] : memref<50x16384x128xf32, #tpu.memory_space<hbm>> -> memref<1x64x128xf32, #tpu.memory_space<hbm>>
    %dma_wait3A_31 = tpu.memref_squeeze %dma_wait3A_30 : memref<1x64x128xf32, #tpu.memory_space<hbm>> -> memref<64x128xf32, #tpu.memory_space<hbm>>
    %dma_wait3A_32 = arith.constant 64 : i32
    %dma_wait3A_33 = arith.constant 0 : i32
    %dma_wait3A_34 = tpu.memref_slice %arg6[%dma_wait3A_32, %dma_wait3A_33] : memref<640x128xf32, #tpu.memory_space<vmem>> -> memref<64x128xf32, #tpu.memory_space<vmem>>
    tpu.wait_dma2 semaphore(%arg19 : memref<!tpu.dma_semaphore, #tpu.memory_space<semaphore_mem>>) src(%dma_wait3A_34 : memref<64x128xf32, #tpu.memory_space<vmem>>) dst(%dma_wait3A_31 : memref<64x128xf32, #tpu.memory_space<hbm>>)
    %dma_wait3A_35 = arith.constant 0 : i32
    %dma_wait3A_36 = arith.constant 128 : i32
    %dma_wait3A_37 = arith.constant 0 : i32
    %dma_wait3A_38 = tpu.memref_slice %arg6[%dma_wait3A_36, %dma_wait3A_37] : memref<640x128xf32, #tpu.memory_space<vmem>> -> memref<64x128xf32, #tpu.memory_space<vmem>>
    %dma_wait3A_39 = arith.constant 0 : i32
    %dma_wait3A_40 = tpu.memref_slice %arg4[%dma_wait3A_35, %mul3A_2, %dma_wait3A_39] : memref<50x16384x128xf32, #tpu.memory_space<hbm>> -> memref<1x64x128xf32, #tpu.memory_space<hbm>>
    %dma_wait3A_41 = tpu.memref_squeeze %dma_wait3A_40 : memref<1x64x128xf32, #tpu.memory_space<hbm>> -> memref<64x128xf32, #tpu.memory_space<hbm>>
    %dma_wait3A_42 = arith.constant 0 : i32
    %dma_wait3A_43 = tpu.memref_slice %arg4[%dma_wait3A_35, %mul3A_2, %dma_wait3A_42] : memref<50x16384x128xf32, #tpu.memory_space<hbm>> -> memref<1x64x128xf32, #tpu.memory_space<hbm>>
    %dma_wait3A_44 = tpu.memref_squeeze %dma_wait3A_43 : memref<1x64x128xf32, #tpu.memory_space<hbm>> -> memref<64x128xf32, #tpu.memory_space<hbm>>
    %dma_wait3A_45 = arith.constant 128 : i32
    %dma_wait3A_46 = arith.constant 0 : i32
    %dma_wait3A_47 = tpu.memref_slice %arg6[%dma_wait3A_45, %dma_wait3A_46] : memref<640x128xf32, #tpu.memory_space<vmem>> -> memref<64x128xf32, #tpu.memory_space<vmem>>
    tpu.wait_dma2 semaphore(%arg20 : memref<!tpu.dma_semaphore, #tpu.memory_space<semaphore_mem>>) src(%dma_wait3A_47 : memref<64x128xf32, #tpu.memory_space<vmem>>) dst(%dma_wait3A_44 : memref<64x128xf32, #tpu.memory_space<hbm>>)
    %dma_wait3A_48 = arith.constant 0 : i32
    %dma_wait3A_49 = arith.constant 192 : i32
    %dma_wait3A_50 = arith.constant 0 : i32
    %dma_wait3A_51 = tpu.memref_slice %arg6[%dma_wait3A_49, %dma_wait3A_50] : memref<640x128xf32, #tpu.memory_space<vmem>> -> memref<64x128xf32, #tpu.memory_space<vmem>>
    %dma_wait3A_52 = arith.constant 0 : i32
    %dma_wait3A_53 = tpu.memref_slice %arg4[%dma_wait3A_48, %mul3A_2, %dma_wait3A_52] : memref<50x16384x128xf32, #tpu.memory_space<hbm>> -> memref<1x64x128xf32, #tpu.memory_space<hbm>>
    %dma_wait3A_54 = tpu.memref_squeeze %dma_wait3A_53 : memref<1x64x128xf32, #tpu.memory_space<hbm>> -> memref<64x128xf32, #tpu.memory_space<hbm>>
    %dma_wait3A_55 = arith.constant 0 : i32
    %dma_wait3A_56 = tpu.memref_slice %arg4[%dma_wait3A_48, %mul3A_2, %dma_wait3A_55] : memref<50x16384x128xf32, #tpu.memory_space<hbm>> -> memref<1x64x128xf32, #tpu.memory_space<hbm>>
    %dma_wait3A_57 = tpu.memref_squeeze %dma_wait3A_56 : memref<1x64x128xf32, #tpu.memory_space<hbm>> -> memref<64x128xf32, #tpu.memory_space<hbm>>
    %dma_wait3A_58 = arith.constant 192 : i32
    %dma_wait3A_59 = arith.constant 0 : i32
    %dma_wait3A_60 = tpu.memref_slice %arg6[%dma_wait3A_58, %dma_wait3A_59] : memref<640x128xf32, #tpu.memory_space<vmem>> -> memref<64x128xf32, #tpu.memory_space<vmem>>
    tpu.wait_dma2 semaphore(%arg21 : memref<!tpu.dma_semaphore, #tpu.memory_space<semaphore_mem>>) src(%dma_wait3A_60 : memref<64x128xf32, #tpu.memory_space<vmem>>) dst(%dma_wait3A_57 : memref<64x128xf32, #tpu.memory_space<hbm>>)
    %dma_wait3A_61 = arith.constant 0 : i32
    %dma_wait3A_62 = arith.constant 256 : i32
    %dma_wait3A_63 = arith.constant 0 : i32
    %dma_wait3A_64 = tpu.memref_slice %arg6[%dma_wait3A_62, %dma_wait3A_63] : memref<640x128xf32, #tpu.memory_space<vmem>> -> memref<64x128xf32, #tpu.memory_space<vmem>>
    %dma_wait3A_65 = arith.constant 0 : i32
    %dma_wait3A_66 = tpu.memref_slice %arg4[%dma_wait3A_61, %mul3A_2, %dma_wait3A_65] : memref<50x16384x128xf32, #tpu.memory_space<hbm>> -> memref<1x64x128xf32, #tpu.memory_space<hbm>>
    %dma_wait3A_67 = tpu.memref_squeeze %dma_wait3A_66 : memref<1x64x128xf32, #tpu.memory_space<hbm>> -> memref<64x128xf32, #tpu.memory_space<hbm>>
    %dma_wait3A_68 = arith.constant 0 : i32
    %dma_wait3A_69 = tpu.memref_slice %arg4[%dma_wait3A_61, %mul3A_2, %dma_wait3A_68] : memref<50x16384x128xf32, #tpu.memory_space<hbm>> -> memref<1x64x128xf32, #tpu.memory_space<hbm>>
    %dma_wait3A_70 = tpu.memref_squeeze %dma_wait3A_69 : memref<1x64x128xf32, #tpu.memory_space<hbm>> -> memref<64x128xf32, #tpu.memory_space<hbm>>
    %dma_wait3A_71 = arith.constant 256 : i32
    %dma_wait3A_72 = arith.constant 0 : i32
    %dma_wait3A_73 = tpu.memref_slice %arg6[%dma_wait3A_71, %dma_wait3A_72] : memref<640x128xf32, #tpu.memory_space<vmem>> -> memref<64x128xf32, #tpu.memory_space<vmem>>
    tpu.wait_dma2 semaphore(%arg22 : memref<!tpu.dma_semaphore, #tpu.memory_space<semaphore_mem>>) src(%dma_wait3A_73 : memref<64x128xf32, #tpu.memory_space<vmem>>) dst(%dma_wait3A_70 : memref<64x128xf32, #tpu.memory_space<hbm>>)
    %dma_wait3A_74 = arith.constant 0 : i32
    %dma_wait3A_75 = arith.constant 320 : i32
    %dma_wait3A_76 = arith.constant 0 : i32
    %dma_wait3A_77 = tpu.memref_slice %arg6[%dma_wait3A_75, %dma_wait3A_76] : memref<640x128xf32, #tpu.memory_space<vmem>> -> memref<64x128xf32, #tpu.memory_space<vmem>>
    %dma_wait3A_78 = arith.constant 0 : i32
    %dma_wait3A_79 = tpu.memref_slice %arg4[%dma_wait3A_74, %mul3A_2, %dma_wait3A_78] : memref<50x16384x128xf32, #tpu.memory_space<hbm>> -> memref<1x64x128xf32, #tpu.memory_space<hbm>>
    %dma_wait3A_80 = tpu.memref_squeeze %dma_wait3A_79 : memref<1x64x128xf32, #tpu.memory_space<hbm>> -> memref<64x128xf32, #tpu.memory_space<hbm>>
    %dma_wait3A_81 = arith.constant 0 : i32
    %dma_wait3A_82 = tpu.memref_slice %arg4[%dma_wait3A_74, %mul3A_2, %dma_wait3A_81] : memref<50x16384x128xf32, #tpu.memory_space<hbm>> -> memref<1x64x128xf32, #tpu.memory_space<hbm>>
    %dma_wait3A_83 = tpu.memref_squeeze %dma_wait3A_82 : memref<1x64x128xf32, #tpu.memory_space<hbm>> -> memref<64x128xf32, #tpu.memory_space<hbm>>
    %dma_wait3A_84 = arith.constant 320 : i32
    %dma_wait3A_85 = arith.constant 0 : i32
    %dma_wait3A_86 = tpu.memref_slice %arg6[%dma_wait3A_84, %dma_wait3A_85] : memref<640x128xf32, #tpu.memory_space<vmem>> -> memref<64x128xf32, #tpu.memory_space<vmem>>
    tpu.wait_dma2 semaphore(%arg23 : memref<!tpu.dma_semaphore, #tpu.memory_space<semaphore_mem>>) src(%dma_wait3A_86 : memref<64x128xf32, #tpu.memory_space<vmem>>) dst(%dma_wait3A_83 : memref<64x128xf32, #tpu.memory_space<hbm>>)
    %dma_wait3A_87 = arith.constant 0 : i32
    %dma_wait3A_88 = arith.constant 384 : i32
    %dma_wait3A_89 = arith.constant 0 : i32
    %dma_wait3A_90 = tpu.memref_slice %arg6[%dma_wait3A_88, %dma_wait3A_89] : memref<640x128xf32, #tpu.memory_space<vmem>> -> memref<64x128xf32, #tpu.memory_space<vmem>>
    %dma_wait3A_91 = arith.constant 0 : i32
    %dma_wait3A_92 = tpu.memref_slice %arg4[%dma_wait3A_87, %mul3A_2, %dma_wait3A_91] : memref<50x16384x128xf32, #tpu.memory_space<hbm>> -> memref<1x64x128xf32, #tpu.memory_space<hbm>>
    %dma_wait3A_93 = tpu.memref_squeeze %dma_wait3A_92 : memref<1x64x128xf32, #tpu.memory_space<hbm>> -> memref<64x128xf32, #tpu.memory_space<hbm>>
    %dma_wait3A_94 = arith.constant 0 : i32
    %dma_wait3A_95 = tpu.memref_slice %arg4[%dma_wait3A_87, %mul3A_2, %dma_wait3A_94] : memref<50x16384x128xf32, #tpu.memory_space<hbm>> -> memref<1x64x128xf32, #tpu.memory_space<hbm>>
    %dma_wait3A_96 = tpu.memref_squeeze %dma_wait3A_95 : memref<1x64x128xf32, #tpu.memory_space<hbm>> -> memref<64x128xf32, #tpu.memory_space<hbm>>
    %dma_wait3A_97 = arith.constant 384 : i32
    %dma_wait3A_98 = arith.constant 0 : i32
    %dma_wait3A_99 = tpu.memref_slice %arg6[%dma_wait3A_97, %dma_wait3A_98] : memref<640x128xf32, #tpu.memory_space<vmem>> -> memref<64x128xf32, #tpu.memory_space<vmem>>
    tpu.wait_dma2 semaphore(%arg24 : memref<!tpu.dma_semaphore, #tpu.memory_space<semaphore_mem>>) src(%dma_wait3A_99 : memref<64x128xf32, #tpu.memory_space<vmem>>) dst(%dma_wait3A_96 : memref<64x128xf32, #tpu.memory_space<hbm>>)
    %dma_wait3A_100 = arith.constant 0 : i32
    %dma_wait3A_101 = arith.constant 448 : i32
    %dma_wait3A_102 = arith.constant 0 : i32
    %dma_wait3A_103 = tpu.memref_slice %arg6[%dma_wait3A_101, %dma_wait3A_102] : memref<640x128xf32, #tpu.memory_space<vmem>> -> memref<64x128xf32, #tpu.memory_space<vmem>>
    %dma_wait3A_104 = arith.constant 0 : i32
    %dma_wait3A_105 = tpu.memref_slice %arg4[%dma_wait3A_100, %mul3A_2, %dma_wait3A_104] : memref<50x16384x128xf32, #tpu.memory_space<hbm>> -> memref<1x64x128xf32, #tpu.memory_space<hbm>>
    %dma_wait3A_106 = tpu.memref_squeeze %dma_wait3A_105 : memref<1x64x128xf32, #tpu.memory_space<hbm>> -> memref<64x128xf32, #tpu.memory_space<hbm>>
    %dma_wait3A_107 = arith.constant 0 : i32
    %dma_wait3A_108 = tpu.memref_slice %arg4[%dma_wait3A_100, %mul3A_2, %dma_wait3A_107] : memref<50x16384x128xf32, #tpu.memory_space<hbm>> -> memref<1x64x128xf32, #tpu.memory_space<hbm>>
    %dma_wait3A_109 = tpu.memref_squeeze %dma_wait3A_108 : memref<1x64x128xf32, #tpu.memory_space<hbm>> -> memref<64x128xf32, #tpu.memory_space<hbm>>
    %dma_wait3A_110 = arith.constant 448 : i32
    %dma_wait3A_111 = arith.constant 0 : i32
    %dma_wait3A_112 = tpu.memref_slice %arg6[%dma_wait3A_110, %dma_wait3A_111] : memref<640x128xf32, #tpu.memory_space<vmem>> -> memref<64x128xf32, #tpu.memory_space<vmem>>
    tpu.wait_dma2 semaphore(%arg25 : memref<!tpu.dma_semaphore, #tpu.memory_space<semaphore_mem>>) src(%dma_wait3A_112 : memref<64x128xf32, #tpu.memory_space<vmem>>) dst(%dma_wait3A_109 : memref<64x128xf32, #tpu.memory_space<hbm>>)
    %dma_wait3A_113 = arith.constant 0 : i32
    %dma_wait3A_114 = arith.constant 512 : i32
    %dma_wait3A_115 = arith.constant 0 : i32
    %dma_wait3A_116 = tpu.memref_slice %arg6[%dma_wait3A_114, %dma_wait3A_115] : memref<640x128xf32, #tpu.memory_space<vmem>> -> memref<64x128xf32, #tpu.memory_space<vmem>>
    %dma_wait3A_117 = arith.constant 0 : i32
    %dma_wait3A_118 = tpu.memref_slice %arg4[%dma_wait3A_113, %mul3A_2, %dma_wait3A_117] : memref<50x16384x128xf32, #tpu.memory_space<hbm>> -> memref<1x64x128xf32, #tpu.memory_space<hbm>>
    %dma_wait3A_119 = tpu.memref_squeeze %dma_wait3A_118 : memref<1x64x128xf32, #tpu.memory_space<hbm>> -> memref<64x128xf32, #tpu.memory_space<hbm>>
    %dma_wait3A_120 = arith.constant 0 : i32
    %dma_wait3A_121 = tpu.memref_slice %arg4[%dma_wait3A_113, %mul3A_2, %dma_wait3A_120] : memref<50x16384x128xf32, #tpu.memory_space<hbm>> -> memref<1x64x128xf32, #tpu.memory_space<hbm>>
    %dma_wait3A_122 = tpu.memref_squeeze %dma_wait3A_121 : memref<1x64x128xf32, #tpu.memory_space<hbm>> -> memref<64x128xf32, #tpu.memory_space<hbm>>
    %dma_wait3A_123 = arith.constant 512 : i32
    %dma_wait3A_124 = arith.constant 0 : i32
    %dma_wait3A_125 = tpu.memref_slice %arg6[%dma_wait3A_123, %dma_wait3A_124] : memref<640x128xf32, #tpu.memory_space<vmem>> -> memref<64x128xf32, #tpu.memory_space<vmem>>
    tpu.wait_dma2 semaphore(%arg26 : memref<!tpu.dma_semaphore, #tpu.memory_space<semaphore_mem>>) src(%dma_wait3A_125 : memref<64x128xf32, #tpu.memory_space<vmem>>) dst(%dma_wait3A_122 : memref<64x128xf32, #tpu.memory_space<hbm>>)
    %dma_wait3A_126 = arith.constant 0 : i32
    %dma_wait3A_127 = arith.constant 576 : i32
    %dma_wait3A_128 = arith.constant 0 : i32
    %dma_wait3A_129 = tpu.memref_slice %arg6[%dma_wait3A_127, %dma_wait3A_128] : memref<640x128xf32, #tpu.memory_space<vmem>> -> memref<64x128xf32, #tpu.memory_space<vmem>>
    %dma_wait3A_130 = arith.constant 0 : i32
    %dma_wait3A_131 = tpu.memref_slice %arg4[%dma_wait3A_126, %mul3A_2, %dma_wait3A_130] : memref<50x16384x128xf32, #tpu.memory_space<hbm>> -> memref<1x64x128xf32, #tpu.memory_space<hbm>>
    %dma_wait3A_132 = tpu.memref_squeeze %dma_wait3A_131 : memref<1x64x128xf32, #tpu.memory_space<hbm>> -> memref<64x128xf32, #tpu.memory_space<hbm>>
    %dma_wait3A_133 = arith.constant 0 : i32
    %dma_wait3A_134 = tpu.memref_slice %arg4[%dma_wait3A_126, %mul3A_2, %dma_wait3A_133] : memref<50x16384x128xf32, #tpu.memory_space<hbm>> -> memref<1x64x128xf32, #tpu.memory_space<hbm>>
    %dma_wait3A_135 = tpu.memref_squeeze %dma_wait3A_134 : memref<1x64x128xf32, #tpu.memory_space<hbm>> -> memref<64x128xf32, #tpu.memory_space<hbm>>
    %dma_wait3A_136 = arith.constant 576 : i32
    %dma_wait3A_137 = arith.constant 0 : i32
    %dma_wait3A_138 = tpu.memref_slice %arg6[%dma_wait3A_136, %dma_wait3A_137] : memref<640x128xf32, #tpu.memory_space<vmem>> -> memref<64x128xf32, #tpu.memory_space<vmem>>
    tpu.wait_dma2 semaphore(%arg27 : memref<!tpu.dma_semaphore, #tpu.memory_space<semaphore_mem>>) src(%dma_wait3A_138 : memref<64x128xf32, #tpu.memory_space<vmem>>) dst(%dma_wait3A_135 : memref<64x128xf32, #tpu.memory_space<hbm>>)
    return
  }
}

</mosaic_0001>

<sc_bundles>
// kernel: kernel.3.cloned.1.call-start
scs
__scs_entry_jumppad:
0x0: {  	(pc) =	sbr.rel $0x88, $3  }
0x1: {  	(tag) =	ssettag $0x0;
	lr =	simm.s32 $0x1  }
0x2: {  	[smem:$0x3F9F] =	sst lr;
	_ =	strace $0xD0000000  }
0x3: {  	_ = 	snop  }
0x4: {  	_ = 	snop  }
0x5: {  	_ = 	snop  }
0x6: {  	_ = 	snop  }
0x7: {  	_ = 	snop  }
__scs_overlays_trampoline_lowered:
0x8: {  	[smem:$0x3FAE] =	sst s0  }
0x9: {  	[smem:$0x3FAF] =	sst s1  }
0xa: {  	[smem:$0x3FB0] =	sst s2  }
0xb: {  	[smem:$0x3FB1] =	sst s3  }
0xc: {  	[smem:$0x3FB2] =	sst s4  }
0xd: {  	[smem:$0x3FB3] =	sst s5  }
0xe: {  	[smem:$0x3FB4] =	sst s6  }
0xf: {  	[smem:$0x3FB5] =	sst s7  }
0x10: {  	[smem:$0x3FB6] =	sst s8  }
0x11: {  	[smem:$0x3FB7] =	sst s9;
	s0 =	simm.s32 @!p0 $0x0  }
0x12: {  	s1 =	sld [smem:$0x3F9D];
	s0 =	simm.s32 @p0 $0x1  }
0x13: {  	[smem:$0x3FB8] =	sst s0;
	s0 =	simm.s32 @!p1 $0x0  }
0x14: {  	s2 =	sld [smem:$0x3F9C];
	s0 =	simm.s32 @p1 $0x1  }
0x15: {  	[smem:$0x3FB9] =	sst s0;
	s0 =	simm.s32 @!p2 $0x0  }
0x16: {  	s3 =	sld [smem:$0x3FDB];
	s0 =	simm.s32 @p2 $0x1  }
0x17: {  	s4 =	simm.s32 $0x1BF5;
	[smem:$0x3FBB] =	sst s0  }
0x18: {  	s0 =	sld [smem:$0x3F9E];
	_ =	swait.ge [sflag:s4], $0x0  }
0x19: {  	s7 =	sld [smem:$0x3F9F]  }
0x1a: {  	s8 =	sadd.s32 $0xFFFFE003, lr  }
0x1b: {  	s9 =	sadd.s32 $0xFFFFFEF7, lr;
	s5 =	simm.s32 $0xFFFFFFFF;
	p2 =	slt.u32 s8, $0xFFFFF086  }
0x1c: {  	p1 =	slt.u32 s9, $0xF7A;
	s5 =	simm.s32 @!p2 $0x0  }
0x1d: {  	s5 =	simm.s32 @p1 $0x1;
	p0 =	seq.s32 s7, s2  }
0x1e: {  	s7 =	smul.u32 @!p0 $0xF7A, s2;
	p2 =	seq.s32 @!p0 s5, $0x0  }
0x1f: {  	s9 =	smul.u32 $0xF7A, s1;
	s8 =	simm.s32 @!p0 $0x1BF5;
	p2 =	por !p2, p0  }
0x20: {  	[sflag:s8] =	ssyncset.s32 @!p0 $0xFFFFF086;
	s6 =	sadd.s32 @!p0 s3, s7;
	s7 =	simm.s32 @!p0 $0x108  }
0x21: {  	s3 =	sadd.s32 s3, s9;
	s6 =	sadd.s32 @!p0 $0x88, s6;
	s7 =	simm.s32 @p2 $0x1082  }
0x22: {  	[simem:s7], [sflag:s8] =	dma.local @!p0 [hbm:s6], $0xF7A  }
0x23: {  	s9 =	sor.u32 $0xD0000000, s2;
	s6 =	simm.s32 $0x108;
	_ =	swait.ge @!p0 [sflag:s8], $0x0  }
0x24: {  	s3 =	sadd.s32 $0x88, s3;
	s6 =	simm.s32 @!p1 $0x1082;
	[sflag:s4] =	ssyncset.s32 $0xFFFFF086  }
0x25: {  	[simem:s6], [sflag:s4] =	dma.local [hbm:s3], $0xF7A  }
0x26: {  	[smem:$0x3F9F] =	sst s1;
	(tag) =	ssettag s2;
	_ =	strace s9  }
0x27: {  	s1 =	sld [smem:$0x3FAF]  }
0x28: {  	s2 =	sld [smem:$0x3FB0]  }
0x29: {  	s4 =	sld [smem:$0x3FB2]  }
0x2a: {  	p0 =	seq.s32 s5, $0x0;
	s5 =	sld [smem:$0x3FB3]  }
0x2b: {  	s6 =	sld [smem:$0x3FB4]  }
0x2c: {  	s7 =	sld [smem:$0x3FB5]  }
0x2d: {  	s3 =	simm.s32 $0x108;
	s8 =	sld [smem:$0x3FB6]  }
0x2e: {  	s3 =	simm.s32 @!p0 $0x1082;
	s9 =	sld [smem:$0x3FB7]  }
0x2f: {  	lr =	sadd.s32 s0, s3;
	s0 =	sld [smem:$0x3FAE]  }
0x30: {  	s3 =	sld [smem:$0x3FB1]  }
0x31: {  	[smem:$0x3FBA] =	sst s10  }
0x32: {  	s10 =	sld [smem:$0x3FB8];
	_ =	sdelay $0x3  }
0x33: {  	p0 =	seq.s32 s10, $0x1;
	s10 =	sld [smem:$0x3FBA];
	_ =	sdelay $0x3  }
0x34: {  	[smem:$0x3FBA] =	sst s10  }
0x35: {  	s10 =	sld [smem:$0x3FB9];
	_ =	sdelay $0x3  }
0x36: {  	p1 =	seq.s32 s10, $0x1;
	s10 =	sld [smem:$0x3FBA];
	_ =	sdelay $0x3  }
0x37: {  	[smem:$0x3FBA] =	sst s10  }
0x38: {  	s10 =	sld [smem:$0x3FBB]  }
0x39: {  	_ = 	snop;
	(pc) =	sbr.ind lr, $3  }
0x3a: {  	_ = 	snop  }
0x3b: {  	_ = 	snop  }
0x3c: {  	p2 =	seq.s32 s10, $0x1;
	s10 =	sld [smem:$0x3FBA]  }
0x3d: {  	_ =	shalt  }
0x3e: {  	_ =	shalt  }
0x3f: {  	_ =	shalt  }
0x40: {  	_ =	shalt  }
0x41: {  	_ =	shalt  }
0x42: {  	_ =	shalt  }
0x43: {  	_ =	shalt  }
0x44: {  	_ =	shalt  }
0x45: {  	_ =	shalt  }
0x46: {  	_ =	shalt  }
0x47: {  	_ =	shalt  }
0x48: {  	_ =	shalt  }
0x49: {  	_ =	shalt  }
0x4a: {  	_ =	shalt  }
0x4b: {  	_ =	shalt  }
0x4c: {  	_ =	shalt  }
0x4d: {  	_ =	shalt  }
0x4e: {  	_ =	shalt  }
0x4f: {  	_ =	shalt  }
0x50: {  	_ =	shalt  }
0x51: {  	_ =	shalt  }
0x52: {  	_ =	shalt  }
0x53: {  	_ =	shalt  }
0x54: {  	_ =	shalt  }
0x55: {  	_ =	shalt  }
0x56: {  	_ =	shalt  }
0x57: {  	_ =	shalt  }
0x58: {  	_ =	shalt  }
0x59: {  	_ =	shalt  }
0x5a: {  	_ =	shalt  }
0x5b: {  	_ =	shalt  }
0x5c: {  	_ =	shalt  }
0x5d: {  	_ =	shalt  }
0x5e: {  	_ =	shalt  }
0x5f: {  	_ =	shalt  }
0x60: {  	_ =	shalt  }
0x61: {  	_ =	shalt  }
0x62: {  	_ =	shalt  }
0x63: {  	_ =	shalt  }
0x64: {  	_ =	shalt  }
0x65: {  	_ =	shalt  }
0x66: {  	_ =	shalt  }
0x67: {  	_ =	shalt  }
0x68: {  	_ =	shalt  }
0x69: {  	_ =	shalt  }
0x6a: {  	_ =	shalt  }
0x6b: {  	_ =	shalt  }
0x6c: {  	_ =	shalt  }
0x6d: {  	_ =	shalt  }
0x6e: {  	_ =	shalt  }
0x6f: {  	_ =	shalt  }
0x70: {  	_ =	shalt  }
0x71: {  	_ =	shalt  }
0x72: {  	_ =	shalt  }
0x73: {  	_ =	shalt  }
0x74: {  	_ =	shalt  }
0x75: {  	_ =	shalt  }
0x76: {  	_ =	shalt  }
0x77: {  	_ =	shalt  }
0x78: {  	_ =	shalt  }
0x79: {  	_ =	shalt  }
0x7a: {  	_ =	shalt  }
0x7b: {  	_ =	shalt  }
0x7c: {  	_ =	shalt  }
0x7d: {  	_ =	shalt  }
0x7e: {  	_ =	shalt  }
0x7f: {  	_ =	shalt  }
0x80: {  	_ =	shalt  }
0x81: {  	_ =	shalt  }
0x82: {  	_ =	shalt  }
0x83: {  	_ =	shalt  }
0x84: {  	_ =	shalt  }
0x85: {  	_ =	shalt  }
0x86: {  	_ =	shalt  }
0x87: {  	_ =	shalt  }
.Lfunc_end0:
.L_simem_size_0:
called_computation_lowered:
.L_overlay_start_0:
0x88: {  	s2 =	sld [smem:$0x3FD9]  }
0x89: {  	s3 =	sld [smem:$0x3FFE];
	_ =	sdelay $0x1  }
0x8a: {  	s1 =	srdreg.scid  }
0x8b: {  	s0 =	sand.u32 $0x1, s1  }
0x8c: {  	s17 =	sshll.u32 s0, $0xA;
	s2 =	sadd.s32 s3, s2  }
0x8d: {  	s2 =	sadd.s32 s2, s17  }
0x8e: {  	[smem:$0x3FC6] =	sst s2  }
0x8f: {  	_ = 	snop  }
0x90: {  	s2 =	sld [smem:$0x3FC9]  }
0x91: {  	s18 =	sld [smem:$0x3FD0];
	(tm) =	ssettm $0x1  }
0x92: {  	s4 =	sld [smem:$0x3FFB];
	_ =	sdelay $0x3  }
0x93: {  	_ =	strace s4  }
0x94: {  	s4 =	sld [smem:$0x3FFC];
	_ =	sdelay $0x3  }
0x95: {  	_ =	strace s4  }
0x96: {  	s4 =	sld [smem:$0x3FFD];
	_ =	sdelay $0x3  }
0x97: {  	_ =	strace s4  }
0x98: {  	_ =	strace $0x8FFFFFFF  }
0x99: {  	s19 =	sld [smem:$0x3FDB];
	_ =	sdelay $0x1  }
0x9a: {  	s5 =	simm.s32 $_scs_section_size  }
0x9b: {  	s6 =	simm.s32 $_size__tile_overlayer_lowered;
	s7 =	simm.s32 $_tile_overlayer_lowered  }
0x9c: {  	s22 =	simm.s32 $0x1BFF;
	s21 =	sshll.u32 s7, $0x1;
	s4 =	sadd.s32 s5, s19  }
0x9d: {  	s8 =	simm.s32 $0x0;
	s20 =	sshll.u32 s6, $0x1;
	s6 =	sadd.s32 s21, s4  }
0x9e: {  	[timem:s8], [sflag:s22] =	dma.local [hbm:s6], s20  }
0x9f: {  	_ =	swait.ge [sflag:s22], s20  }
0xa0: {  	s5 =	ssub.s32 $0x0, s20;
	[sflag:s22] =	ssyncset.done $0x0  }
0xa1: {  	[sflag:s22] =	ssyncadd.s32 s5;
	_ =	sdelay $0x1  }
0xa2: {  	s23 =	simm.s32 $0x1B8B  }
0xa3: {  	_ =	swait.ge [sflag:s23], $0x1  }
0xa4: {  	[sflag:s23] =	ssyncset.done $0x0  }
0xa5: {  	s25 =	simm.s32 $0x1B8E;
	s24 =	sld [smem:$0x3FFE];
	[sflag:s23] =	ssyncadd.s32 $0xFFFFFFFF  }
0xa6: {  	s26 =	simm.s32 $execute0_lowered;
	[smem:$0x3FD2] =	sst s25  }
0xa7: {  	s6 =	sshll.u32 s26, $0x1;
	_ =	strace $0x80000046;
	[dreg:$0x1] =	wrdreg $0xFFFFFFFF  }
0xa8: {  	s28 =	simm.s32 $_size_execute0_lowered;
	s4 =	sadd.s32 s4, s6;
	[dreg:$0x0] =	wrdreg $0x0  }
0xa9: {  	s6 =	sshll.u32 s28, $0x1;
	[dreg:$0x2] =	wrdreg s4  }
0xaa: {  	[dreg:$0x3] =	wrdreg s6  }
0xab: {  	[dreg:$0x4] =	wrdreg $0xC0  }
0xac: {  	_ =	task [dreg:s8], $0x5FFFF  }
0xad: {  	[dreg:$0x1] =	wrdreg $0xFFFFFFFF  }
0xae: {  	[dreg:$0x0] =	wrdreg $0x60  }
0xaf: {  	[dreg:$0x2] =	wrdreg s24  }
0xb0: {  	[dreg:$0x3] =	wrdreg s2  }
0xb1: {  	[dreg:$0x4] =	wrdreg s18  }
0xb2: {  	[dreg:$0x5] =	wrdreg $0x1B0000  }
0xb3: {  	[dreg:$0x6] =	wrdreg $0x9  }
0xb4: {  	_ =	task.clear_ibuf [dreg:s8], $0x7FFFF;
	_ =	strace $0x90000046  }
0xb5: {  	s29 =	simm.s32 $0x9;
	_ =	strace $0x80000048  }
0xb6: {  	_ =	swait.ge [sflag:s29], $0x1  }
0xb7: {  	[sflag:s29] =	ssyncadd.s32 $0xFFFFFFFF  }
0xb8: {  	_ =	strace $0x90000048  }
0xb9: {  	_ =	sfence  }
0xba: {  	s30 =	sld [smem:$0x0];
	_ =	sdelay $0x2  }
0xbb: {  	s31 =	sshll.u32 s1, $0xD;
	s1 =	sshrl.u32 s1, $0x2  }
0xbc: {  	s3 =	sand.u32 $0x4000, s31;
	s1 =	sadd.s32 s1, s30  }
0xbd: {  	s0 =	sor.u32 s3, s0;
	s1 =	sshll.u32 s1, $0x11  }
0xbe: {  	s0 =	sor.u32 s1, s0  }
0xbf: {  	s0 =	sadd.s32 $0x8F2B, s0  }
0xc0: {  	[sflag:s0] =	ssyncadd.remote.s32 $0x1  }
0xc1: {  	_ =	sfence.sel $0xFFFF  }
0xc2: {  	[dreg:$0x0] =	wrdreg $0xFFFFFFFF;
	(pc) =	sbr.abs _section_cstart, $3  }
0xc3: {  	[dreg:$0x1] =	wrdreg $0xFFFFFFFF  }
0xc4: {  	_ =	task.clear_ibuf [dreg:s8], $0x2FFFF;
	_ =	strace $0x9FFFFFFF  }
0xc5: {  	(tm) =	ssettm $0x7FFFFFFF  }
tec
execute0_lowered:
.L_overlay_start_1:
0x0: {  	(tag) =	ssettag $0x1  }
0x1: {  	s0 =	rddreg [dreg:$0x0]  }
0x2: {  	s1 =	rddreg [dreg:$0x1]  }
0x3: {  	s10 =	rddreg [dreg:$0x3]  }
0x4: {  	s3 =	simm.s32 $0x0;
	s2 =	srdreg.scid;
	s29 =	stileid.u32  }
0x5: {  	s25 =	simm.s32 $0x40;
	s19 =	simm.s32 $0x7000;
	s30 =	simm.s32 $0x11000  }
0x6: {  	s13 =	simm.s32 $0x13000;
	s28 =	simm.s32 $0x15000;
	[smem:$0x7FF] =	sst s3  }
0x7: {  	s2 =	sand.u32 $0x1, s2;
	s6 =	sshll.u32 s29, $0xA;
	s0 =	sadd.s32 $0x400, s0  }
0x8: {  	_ =	strace $0x80000047;
	s4 =	ssub.s32 $0x2, s2;
	s2 =	sshll.u32 s2, $0x9  }
0x9: {  	[dreg:$0x16] =	wrdreg s0;
	s5 =	sshrl.u32 s4, $0x1;
	s2 =	sor.u32 s2, s6  }
0xa: {  	s31 =	ssub.s32 s4, s5;
	[dreg:$0x5] =	wrdreg s2;
	s1 =	sadd.s32 s1, s2  }
0xb: {  	p0 =	sne.s32 s29, $0x0;
	[dreg:$0x17] =	wrdreg s1;
	s0 =	smax.u32 s31, $0x1  }
0xc: {  	s11 =	simm.s32 $0x17000;
	[dreg:$0x18] =	wrdreg s0;
	s0 =	sshrl.u32 @!p0 s10, $0x3  }
0xd: {  	s7 =	simm.s32 $0x19000;
	s2 =	simm.s32 $0x0;
	[dreg:$0x19] =	wrdreg s0  }
.LBB2_1:
0xe: {  	[dreg:$0x1a] =	wrdreg s2  }
0xf: {  	s1 =	rddreg [dreg:$0x16]  }
0x10: {  	s0 =	simm.s32 @!p0 $0x1C15;
	s2 =	rddreg [dreg:$0x19]  }
0x11: {  	s31 =	simm.s32 $0x0;
	s16 =	simm.s32 $0x1000;
	s17 =	simm.s32 $0x20000  }
0x12: {  	s18 =	simm.s32 $0x15;
	s21 =	simm.s32 $0xA;
	s20 =	simm.s32 $0x1200  }
0x13: {  	s22 =	simm.s32 $0xE00;
	s3 =	simm.s32 $0x0;
	s4 =	simm.s32 $0x80  }
0x14: {  	s24 =	simm.s32 $0x0;
	s6 =	simm.s32 $0x100;
	s8 =	simm.s32 $0x140  }
0x15: {  	p1 =	por $0x1, $0x1;
	s9 =	simm.s32 $0x0;
	s29 =	smov.u32 s10  }
0x16: {  	[spmem:s2], [sflag:s0] =	dma.local @!p0 [hbm:s1], $0x810  }
0x17: {  	s0 =	simm.s32 @!p0 $0x15;
	s23 =	sand.u32 $0xC00, s20;
	s2 =	simm.s32 $0xC0  }
0x18: {  	s1 =	simm.s32 @!p1 $0x10;
	s12 =	sand.u32 $0xC00, s31;
	s9 =	sand.u32 $0xF000, s9  }
0x19: {  	s14 =	sand.u32 $0x380, s3;
	s20 =	simm.s32 $0x0;
	_ =	swait.ge @!p0 [sflag:s0], $0x810  }
0x1a: {  	s12 =	sadd.s32 s12, s9;
	s20 =	sand.u32 $0x1F000, s20;
	[sflag:s0] =	ssyncset.done @!p0 $0x0  }
0x1b: {  	s2 =	sand.u32 $0x1C0, s2;
	s15 =	rddreg [dreg:$0x17];
	[sflag:s0] =	ssyncadd.s32 @!p0 $0xFFFFF7F0  }
0x1c: {  	[tilespmem:s31], [sflag:$0x15] =	stream.strided.gather [hbm4b:s15+s16], $0x7000, s17, s16, $0x38;
	[tilespmem:$0x1B408] =	vst v63  }
0x1d: {  	s0 =	sand.u32 $0xC00, s22;
	s22 =	simm.s32 @!p1 $0xB;
	s16 =	sand.u32 $0x180, s31  }
0x1e: {  	s17 =	simm.s32 $0x240;
	_ =	swait.ge [sflag:s18], $0x7000;
	s5 =	sshll.u32 s16, $0x5  }
0x1f: {  	s15 =	simm.s32 $0x0;
	[sflag:s18] =	ssyncset.done $0x0;
	s3 =	sshrl.u32 s5, $0x2  }
0x20: {  	s5 =	sand.u32 $0x1F000, s15;
	s15 =	simm.s32 $0x600;
	[sflag:s18] =	ssyncadd.s32 $0xFFFF9000  }
0x21: {  	s18 =	sand.u32 $0x180, s4;
	s4 =	sand.u32 $0x180, s6;
	s6 =	sadd.s32 s14, s12  }
0x22: {  	s9 =	sor.u32 s3, s9;
	[bflag:$0x0] =	sbarrier.arrive $0xFFFF;
	s26 =	sshll.u32 s18, $0x3  }
0x23: {  	s9 =	sor.u32 s14, s9;
	s14 =	sand.u32 $0xC00, s15;
	[dreg:$0x6] =	wrdreg s24  }
0x24: {  	s24 =	sshll.u32 s4, $0x3;
	s12 =	sor.u32 s26, s20;
	s26 =	simm.s32 $0x0  }
0x25: {  	s6 =	sadd.s32 $0x40, s6;
	s5 =	sor.u32 s24, s5;
	s20 =	sand.u32 $0x380, s26  }
0x26: {  	_ =	swait.ge @!p1 [sflag:s22], $0x2000;
	s24 =	simm.s32 $0x0;
	s26 =	simm.s32 $0xA00  }
0x27: {  	s5 =	sor.u32 s20, s5;
	[sflag:s22] =	ssyncset.done @!p1 $0x0;
	s20 =	simm.s32 @!p1 $0xC  }
0x28: {  	s15 =	sand.u32 $0x1F000, s24;
	s24 =	simm.s32 $0x0;
	[sflag:s22] =	ssyncadd.s32 @!p1 $0xFFFFE000  }
0x29: {  	[tilespmem:s19], [sflag:$0x1] =	stream.indirect.gather [spmem:s10], $0x80, s9, s25, $0xb8;
	[tilespmem:$0x1B408] =	vst v63  }
0x2a: {  	s14 =	sor.u32 s14, s15;
	s15 =	simm.s32 $0x0;
	s19 =	simm.s32 $0x0  }
0x2b: {  	s9 =	sand.u32 $0xC00, s26;
	s26 =	simm.s32 $0x9000;
	_ =	swait.ge @!p1 [sflag:s20], $0x2000  }
0x2c: {  	s22 =	sand.u32 $0x380, s19;
	s19 =	sand.u32 $0x1F000, s24;
	s24 =	simm.s32 $0x0  }
0x2d: {  	[sflag:s20] =	ssyncset.done @!p1 $0x0;
	s9 =	sor.u32 s9, s19;
	s12 =	sor.u32 s22, s12  }
0x2e: {  	s19 =	simm.s32 @!p1 $0xE;
	s22 =	simm.s32 $0xD000;
	[sflag:s20] =	ssyncadd.s32 @!p1 $0xFFFFE000  }
0x2f: {  	[tilespmem:s26], [sflag:$0x2] =	stream.indirect.gather [spmem:s10], $0x80, s6, s25, $0xb8;
	[tilespmem:$0x1B408] =	vst v63  }
0x30: {  	s24 =	sand.u32 $0x1F000, s24;
	s20 =	simm.s32 @!p1 $0xD;
	s6 =	sand.u32 $0x380, s15  }
0x31: {  	s26 =	simm.s32 $0xB000;
	s15 =	simm.s32 $0x180;
	_ =	swait.ge @!p1 [sflag:s20], $0x2000  }
0x32: {  	s9 =	sor.u32 s6, s9;
	s6 =	simm.s32 $0x0;
	[sflag:s20] =	ssyncset.done @!p1 $0x0  }
0x33: {  	s6 =	sand.u32 $0x380, s6;
	s9 =	sor.u32 $0x40, s9;
	[sflag:s20] =	ssyncadd.s32 @!p1 $0xFFFFE000  }
0x34: {  	[tilespmem:s26], [sflag:$0x3] =	stream.indirect.gather [spmem:s10], $0x80, s12, s25, $0xb8;
	[tilespmem:$0x1B408] =	vst v63  }
0x35: {  	s6 =	sor.u32 s6, s14;
	s20 =	simm.s32 $0x200;
	s10 =	sand.u32 $0x180, s15  }
0x36: {  	s6 =	sor.u32 $0x40, s6;
	s12 =	simm.s32 @!p1 $0xF;
	_ =	swait.ge @!p1 [sflag:s19], $0x2000  }
0x37: {  	s15 =	simm.s32 $0x1;
	s26 =	sshll.u32 s10, $0x3;
	[sflag:s19] =	ssyncset.done @!p1 $0x0  }
0x38: {  	s14 =	sor.u32 s26, s24;
	s24 =	simm.s32 $0x0;
	s26 =	sand.u32 $0x1F000, s20  }
0x39: {  	s20 =	simm.s32 $0x200;
	[sflag:s19] =	ssyncadd.s32 @!p1 $0xFFFFE000;
	s3 =	sor.u32 s3, s26  }
0x3a: {  	[tilespmem:s22], [sflag:$0x4] =	stream.indirect.gather [spmem:s29], $0x80, s6, s25, $0xb8;
	[tilespmem:$0x1B408] =	vst v63  }
0x3b: {  	s19 =	simm.s32 $0x0;
	s22 =	simm.s32 $0x80;
	_ =	swait.ge @!p1 [sflag:s12], $0x2000  }
0x3c: {  	s6 =	simm.s32 $0x0;
	[dreg:$0x7] =	wrdreg s15;
	[sflag:s12] =	ssyncset.done @!p1 $0x0  }
0x3d: {  	s15 =	simm.s32 $0xF000;
	[sflag:s12] =	ssyncadd.s32 @!p1 $0xFFFFE000;
	s12 =	sand.u32 $0x380, s22  }
0x3e: {  	[tilespmem:s15], [sflag:$0x5] =	stream.indirect.gather [spmem:s29], $0x80, s5, s25, $0xb8;
	[tilespmem:$0x1B408] =	vst v63  }
0x3f: {  	s22 =	simm.s32 $0x80;
	s15 =	sand.u32 $0x1F000, s6;
	s5 =	sand.u32 $0x380, s24  }
0x40: {  	s26 =	sadd.s32 s12, s3;
	s12 =	simm.s32 $0x1;
	_ =	swait.ge @!p1 [sflag:s1], $0x2000  }
0x41: {  	s0 =	sor.u32 s0, s15;
	s15 =	sand.u32 $0x380, s19;
	[sflag:s1] =	ssyncset.done @!p1 $0x0  }
0x42: {  	s5 =	sor.u32 s5, s14;
	s14 =	sand.u32 $0x1F000, s20;
	[sflag:s1] =	ssyncadd.s32 @!p1 $0xFFFFE000  }
0x43: {  	[tilespmem:s30], [sflag:$0x6] =	stream.indirect.gather [spmem:s29], $0x80, s9, s25, $0xb8;
	[tilespmem:$0x1B408] =	vst v63  }
0x44: {  	s20 =	simm.s32 $0x0;
	s19 =	simm.s32 $0x40000;
	s9 =	simm.s32 @!p1 $0x11  }
0x45: {  	s0 =	sor.u32 s15, s0;
	s15 =	sand.u32 $0x380, s22;
	_ =	swait.ge @!p1 [sflag:s9], $0x2000  }
0x46: {  	s14 =	sor.u32 s23, s14;
	s1 =	simm.s32 @!p1 $0x12;
	[sflag:s9] =	ssyncset.done @!p1 $0x0  }
0x47: {  	s14 =	sor.u32 s15, s14;
	s0 =	sor.u32 $0x40, s0;
	[sflag:s9] =	ssyncadd.s32 @!p1 $0xFFFFE000  }
0x48: {  	[tilespmem:s13], [sflag:$0x7] =	stream.indirect.gather [spmem:s29], $0x80, s5, s25, $0xb8;
	[tilespmem:$0x1B408] =	vst v63  }
0x49: {  	s15 =	sand.u32 $0x1C0, s17;
	s14 =	sor.u32 $0x40, s14;
	_ =	swait.ge @!p1 [sflag:s1], $0x2000  }
0x4a: {  	s30 =	sand.u32 $0x1C0, s8;
	s9 =	simm.s32 @!p1 $0x13;
	s6 =	rddreg [dreg:$0x2]  }
0x4b: {  	s5 =	simm.s32 @!p1 $0x14;
	[sflag:s1] =	ssyncset.done @!p1 $0x0;
	s13 =	rddreg [dreg:$0x5]  }
0x4c: {  	s23 =	sadd.s32 $0x0, s6;
	[sflag:s1] =	ssyncadd.s32 @!p1 $0xFFFFE000;
	s24 =	sor.u32 s13, s16  }
0x4d: {  	[tilespmem:s28], [sflag:$0x8] =	stream.indirect.gather [spmem:s29], $0x80, s0, s25, $0xb8;
	[tilespmem:$0x1B408] =	vst v63  }
0x4e: {  	s22 =	sadd.s32 $0x0, s6;
	s2 =	sor.u32 s13, s2;
	_ =	swait.ge @!p1 [sflag:s9], $0x2000  }
0x4f: {  	s4 =	sor.u32 s13, s4;
	s1 =	sor.u32 s13, s30;
	[sflag:s9] =	ssyncset.done @!p1 $0x0  }
0x50: {  	s30 =	simm.s32 $0x2;
	s16 =	sshll.u32 s24, $0x4;
	[sflag:s9] =	ssyncadd.s32 @!p1 $0xFFFFE000  }
0x51: {  	[tilespmem:s11], [sflag:$0x9] =	stream.indirect.gather [spmem:s29], $0x80, s26, s25, $0xb8;
	[tilespmem:$0x1B408] =	vst v63  }
0x52: {  	s24 =	sadd.s32 $0x0, s6;
	s4 =	sshll.u32 s4, $0x4;
	_ =	swait.ge @!p1 [sflag:s5], $0x2000  }
0x53: {  	s3 =	sshll.u32 s1, $0x4;
	s28 =	sadd.s32 s16, s23;
	[sflag:s5] =	ssyncset.done @!p1 $0x0  }
0x54: {  	s0 =	sadd.s32 $0x400, s28;
	s9 =	sor.u32 s13, s18;
	[sflag:s5] =	ssyncadd.s32 @!p1 $0xFFFFE000  }
0x55: {  	[tilespmem:s7], [sflag:$0xA] =	stream.indirect.gather [spmem:s29], $0x80, s14, s25, $0xb8;
	[tilespmem:$0x1B408] =	vst v63  }
0x56: {  	s26 =	sadd.s32 $0x0, s6;
	s11 =	sadd.s32 $0x0, s6;
	_ =	swait.ge [sflag:s12], $0x2000  }
0x57: {  	s23 =	sshll.u32 s9, $0x4;
	s18 =	sadd.s32 s4, s11;
	[sflag:s12] =	ssyncset.done $0x0  }
0x58: {  	s14 =	simm.s32 $0x1C0;
	s25 =	simm.s32 $0x7000;
	[sflag:s12] =	ssyncadd.s32 $0xFFFFE000  }
0x59: {  	[hbm4b:s28+s31] =	stream.linear.scatter [tilespmem:s25], [sflag:$0xB], $0x2000, $0x38;
	[tilespmem:$0x1B408] =	vst v63  }
0x5a: {  	s29 =	simm.s32 $0x80;
	s7 =	sand.u32 $0x1C0, s14;
	_ =	swait.ge [sflag:s30], $0x2000  }
0x5b: {  	s4 =	sor.u32 s13, s7;
	s28 =	sor.u32 s13, s15;
	[sflag:s30] =	ssyncset.done $0x0  }
0x5c: {  	s31 =	simm.s32 $0x400;
	s1 =	sshll.u32 s28, $0x4;
	[sflag:s30] =	ssyncadd.s32 $0xFFFFE000  }
.LBB2_2:
0x5d: {  	[dreg:$0x8] =	wrdreg s29  }
0x5e: {  	s4 =	sshll.u32 s4, $0x4;
	s17 =	sadd.s32 $0x280, s17;
	s30 =	smov.u32 s21  }
0x5f: {  	s9 =	sadd.s32 $0xA, s21;
	s2 =	sshll.u32 s2, $0x4;
	s11 =	rddreg [dreg:$0x7]  }
0x60: {  	s7 =	sadd.s32 s3, s24;
	s12 =	rddreg [dreg:$0x6];
	s8 =	simm.s32 $0x0  }
0x61: {  	s13 =	simm.s32 $0x3;
	[dreg:$0x9] =	wrdreg s9;
	s3 =	sshll.u32 s11, $0x12  }
0x62: {  	s9 =	rddreg [dreg:$0x2];
	s6 =	sadd.s32 s2, s22;
	s2 =	sshll.u32 s12, $0x12  }
0x63: {  	s11 =	simm.s32 $0x9000;
	s15 =	sadd.s32 $0x8, s30;
	s28 =	sadd.s32 $0x3, s30  }
0x64: {  	[hbm4b:s0+s8] =	stream.linear.scatter [tilespmem:s11], [sflag:$0xC], $0x2000, $0x38;
	[tilespmem:$0x1B408] =	vst v63  }
0x65: {  	p1 =	seq.s32 s30, $0x0;
	s5 =	sadd.s32 s9, s20;
	s12 =	sadd.s32 s9, s2  }
0x66: {  	s0 =	sadd.s32 s9, s16;
	s2 =	sadd.s32 $0x4, s30;
	s9 =	sadd.s32 s9, s19  }
0x67: {  	s16 =	sadd.s32 $0xFFFFFF80, s17;
	s19 =	sadd.s32 $0x9, s30;
	s20 =	sshll.u32 s17, $0x3  }
0x68: {  	s8 =	sadd.s32 s4, s26;
	s26 =	simm.s32 $0xB000;
	s11 =	simm.s32 $0x4  }
0x69: {  	_ =	swait.ge [sflag:s13], $0x2000;
	[dreg:$0xa] =	wrdreg s16;
	s1 =	sadd.s32 s1, s9  }
0x6a: {  	[dreg:$0xf] =	wrdreg s19;
	s21 =	sshll.u32 s16, $0x3;
	s24 =	sadd.s32 s23, s5  }
0x6b: {  	s5 =	simm.s32 $0x0;
	s19 =	sadd.s32 s3, s0;
	s16 =	sadd.s32 $0x6, s30  }
0x6c: {  	s23 =	simm.s32 $0x0;
	s0 =	simm.s32 $0x6;
	s25 =	rddreg [dreg:$0x5]  }
0x6d: {  	[dreg:$0x15] =	wrdreg s1;
	s1 =	sand.u32 $0xC00, s20;
	[sflag:s13] =	ssyncset.done $0x0  }
0x6e: {  	s22 =	sand.u32 $0xC00, s21;
	s20 =	sand.u32 $0x180, s29;
	s29 =	sshrl.u32 s16, $0x3  }
0x6f: {  	s16 =	sshrl.u32 s2, $0x3;
	s2 =	simm.s32 $0x7;
	[dreg:$0xc] =	wrdreg s1  }
0x70: {  	s14 =	sor.u32 s25, s10;
	[dreg:$0x11] =	wrdreg s22;
	[sflag:s13] =	ssyncadd.s32 $0xFFFFE000  }
0x71: {  	[hbm4b:s24+s5] =	stream.linear.scatter [tilespmem:s26], [sflag:$0xD], $0x2000, $0x38;
	[tilespmem:$0x1B408] =	vst v63  }
0x72: {  	s22 =	simm.s32 $0xD000;
	s9 =	sshll.u32 s20, $0x5;
	s13 =	sshll.u32 s14, $0x4  }
0x73: {  	s14 =	sshrl.u32 s30, $0x3;
	s24 =	simm.s32 $0x5;
	s26 =	sadd.s32 $0xFFFFFE80, s17  }
0x74: {  	_ =	swait.ge [sflag:s11], $0x2000;
	s1 =	sadd.s32 s13, s12;
	s4 =	sshll.u32 s14, $0x7  }
0x75: {  	[dreg:$0xe] =	wrdreg s20;
	s21 =	sshll.u32 s14, $0x12;
	s12 =	sadd.s32 $0xFFFFFE40, s17  }
0x76: {  	s13 =	sadd.s32 $0xFFFFFF00, s17;
	s3 =	sshll.u32 s14, $0x9;
	s20 =	sshrl.u32 s15, $0x3  }
0x77: {  	[sflag:s11] =	ssyncset.done $0x0;
	[dreg:$0xd] =	wrdreg s21;
	s21 =	sadd.s32 $0xFFFFFEC0, s17  }
0x78: {  	s3 =	sand.u32 $0xF000, s3;
	s4 =	sand.u32 $0x380, s4;
	[sflag:s11] =	ssyncadd.s32 $0xFFFFE000  }
0x79: {  	[hbm4b:s6+s5] =	stream.linear.scatter [tilespmem:s22], [sflag:$0xE], $0x2000, $0x38;
	[tilespmem:$0x1B408] =	vst v63  }
0x7a: {  	s15 =	sshll.u32 s13, $0x3;
	_ =	swait.ge [sflag:s24], $0x2000;
	[dreg:$0x10] =	wrdreg s26  }
0x7b: {  	s11 =	sadd.s32 $0x5, s30;
	s6 =	sadd.s32 $0x2, s30;
	[dreg:$0x12] =	wrdreg s13  }
0x7c: {  	s22 =	simm.s32 $0xF000;
	[dreg:$0xb] =	wrdreg s31;
	s26 =	sshll.u32 s26, $0x3  }
0x7d: {  	s13 =	simm.s32 $0x0;
	[sflag:s24] =	ssyncset.done $0x0;
	s14 =	sand.u32 $0xC00, s26  }
0x7e: {  	s26 =	sand.u32 $0x180, s21;
	s21 =	simm.s32 $0x11000;
	[sflag:s24] =	ssyncadd.s32 $0xFFFFE000  }
0x7f: {  	[hbm4b:s18+s23] =	stream.linear.scatter [tilespmem:s22], [sflag:$0xF], $0x2000, $0x38;
	[tilespmem:$0x1B408] =	vst v63  }
0x80: {  	s24 =	sshll.u32 s20, $0x9;
	s23 =	sand.u32 $0xC00, s31;
	s22 =	simm.s32 @!p1 $0xB  }
0x81: {  	s18 =	sand.u32 $0x180, s12;
	s31 =	sshll.u32 s16, $0x9;
	_ =	swait.ge [sflag:s0], $0x2000  }
0x82: {  	s5 =	sadd.s32 s23, s3;
	s23 =	simm.s32 @!p1 $0xC;
	[dreg:$0x13] =	wrdreg s18  }
0x83: {  	[dreg:$0x14] =	wrdreg s26;
	s10 =	sshll.u32 s18, $0x3;
	s18 =	sshrl.u32 s28, $0x3  }
0x84: {  	s28 =	sshrl.u32 s6, $0x3;
	[sflag:s0] =	ssyncset.done $0x0;
	s12 =	sadd.s32 s4, s5  }
0x85: {  	s6 =	sshll.u32 s18, $0x9;
	s5 =	sshrl.u32 s9, $0x2;
	s9 =	sshll.u32 s20, $0x7  }
0x86: {  	[sflag:s0] =	ssyncadd.s32 $0xFFFFE000;
	s0 =	sshll.u32 s28, $0x9;
	s6 =	sand.u32 $0x1F000, s6  }
0x87: {  	[hbm4b:s7+s13] =	stream.linear.scatter [tilespmem:s21], [sflag:$0x10], $0x2000, $0x38;
	[tilespmem:$0x1B408] =	vst v63  }
0x88: {  	s21 =	smov.u32 s16;
	s7 =	sshll.u32 s28, $0x7;
	s16 =	simm.s32 $0x13000  }
0x89: {  	s0 =	sand.u32 $0x1F000, s0;
	s6 =	sor.u32 s14, s6;
	s14 =	sadd.s32 $0xFFFFFF40, s17  }
0x8a: {  	_ =	swait.ge [sflag:s2], $0x2000;
	s0 =	sor.u32 s10, s0;
	s7 =	sand.u32 $0x380, s7  }
0x8b: {  	s10 =	sshll.u32 s18, $0x7;
	[sflag:s2] =	ssyncset.done $0x0;
	s7 =	sor.u32 s7, s0  }
0x8c: {  	s0 =	sand.u32 $0x380, s9;
	s9 =	simm.s32 @!p1 $0x10;
	[sflag:s2] =	ssyncadd.s32 $0xFFFFE000  }
0x8d: {  	[hbm4b:s1+s13] =	stream.linear.scatter [tilespmem:s16], [sflag:$0x11], $0x2000, $0x38;
	[tilespmem:$0x1B408] =	vst v63  }
0x8e: {  	s2 =	simm.s32 $0x0;
	s1 =	simm.s32 $0x8;
	s13 =	sor.u32 s5, s3  }
0x8f: {  	s16 =	simm.s32 @!p1 $0xE;
	s3 =	sshrl.u32 s11, $0x3;
	s11 =	simm.s32 $0x9  }
0x90: {  	_ =	swait.ge [sflag:s1], $0x2000;
	[dreg:$0x7] =	wrdreg s20;
	s20 =	simm.s32 $0x15000  }
0x91: {  	s13 =	sor.u32 s4, s13;
	s4 =	sshll.u32 s26, $0x3;
	[sflag:s1] =	ssyncset.done $0x0  }
0x92: {  	s26 =	simm.s32 $0x17000;
	[sflag:s1] =	ssyncadd.s32 $0xFFFFE000;
	s1 =	sshll.u32 s29, $0x9  }
0x93: {  	[hbm4b:s8+s2] =	stream.linear.scatter [tilespmem:s20], [sflag:$0x12], $0x2000, $0x38;
	[tilespmem:$0x1B408] =	vst v63  }
0x94: {  	s2 =	simm.s32 $0x0;
	s20 =	sshll.u32 s29, $0x7;
	s8 =	sshll.u32 s21, $0x7  }
0x95: {  	s1 =	sand.u32 $0x1F000, s1;
	_ =	swait.ge [sflag:s11], $0x2000;
	[dreg:$0x6] =	wrdreg s29  }
0x96: {  	s8 =	sand.u32 $0x380, s8;
	s29 =	simm.s32 $0xA;
	[sflag:s11] =	ssyncset.done $0x0  }
0x97: {  	[sflag:s11] =	ssyncadd.s32 $0xFFFFE000;
	s11 =	sand.u32 $0x1F000, s31;
	s31 =	sadd.s32 $0x7, s30  }
0x98: {  	[hbm4b:s19+s2] =	stream.linear.scatter [tilespmem:s26], [sflag:$0x13], $0x2000, $0x38;
	[tilespmem:$0x1B408] =	vst v63  }
0x99: {  	s19 =	sshll.u32 s3, $0x9;
	s4 =	sor.u32 s4, s11;
	_ =	swait.ge [sflag:s29], $0x2000  }
0x9a: {  	s30 =	sor.u32 s8, s4;
	s4 =	sand.u32 $0xC00, s15;
	[sflag:s29] =	ssyncset.done $0x0  }
0x9b: {  	s15 =	simm.s32 $0x19000;
	s26 =	rddreg [dreg:$0x15];
	[sflag:s29] =	ssyncadd.s32 $0xFFFFE000  }
0x9c: {  	[hbm4b:s26+s2] =	stream.linear.scatter [tilespmem:s15], [sflag:$0x14], $0x2000, $0x38;
	[tilespmem:$0x1B408] =	vst v63  }
0x9d: {  	s11 =	simm.s32 $0x7000;
	s8 =	simm.s32 @!p1 $0x11;
	s15 =	sand.u32 $0x1F000, s19  }
0x9e: {  	s19 =	sshll.u32 s3, $0x7;
	s2 =	simm.s32 @!p1 $0xD;
	_ =	swait.ge @!p1 [sflag:s22], $0x2000  }
0x9f: {  	s26 =	sand.u32 $0x380, s19;
	s4 =	sor.u32 s4, s15;
	[sflag:s22] =	ssyncset.done @!p1 $0x0  }
0xa0: {  	s15 =	simm.s32 $0x40;
	s19 =	sadd.s32 $0x40, s12;
	[sflag:s22] =	ssyncadd.s32 @!p1 $0xFFFFE000  }
0xa1: {  	s12 =	simm.s32 $0xB000;
	s4 =	sor.u32 s26, s4;
	s29 =	rddreg [dreg:$0x3]  }
0xa2: {  	[tilespmem:s11], [sflag:$0x1] =	stream.indirect.gather [spmem:s29], $0x80, s13, s15, $0xb8;
	[tilespmem:$0x1B408] =	vst v63  }
0xa3: {  	s26 =	sand.u32 $0x1F000, s24;
	s22 =	sand.u32 $0x380, s10;
	_ =	swait.ge @!p1 [sflag:s23], $0x2000  }
0xa4: {  	s10 =	sand.u32 $0x180, s14;
	s14 =	sor.u32 s5, s26;
	[sflag:s23] =	ssyncset.done @!p1 $0x0  }
0xa5: {  	s5 =	simm.s32 @!p1 $0x12;
	[sflag:s23] =	ssyncadd.s32 @!p1 $0xFFFFE000;
	s23 =	simm.s32 $0x9000  }
0xa6: {  	[tilespmem:s23], [sflag:$0x2] =	stream.indirect.gather [spmem:s29], $0x80, s19, s15, $0xb8;
	[tilespmem:$0x1B408] =	vst v63  }
0xa7: {  	s4 =	sor.u32 $0x40, s4;
	s6 =	sor.u32 s22, s6;
	_ =	swait.ge @!p1 [sflag:s2], $0x2000  }
0xa8: {  	s22 =	simm.s32 $0xD000;
	s11 =	sshll.u32 s10, $0x3;
	[sflag:s2] =	ssyncset.done @!p1 $0x0  }
0xa9: {  	s13 =	sor.u32 $0x40, s6;
	s6 =	simm.s32 @!p1 $0xF;
	[sflag:s2] =	ssyncadd.s32 @!p1 $0xFFFFE000  }
0xaa: {  	[tilespmem:s12], [sflag:$0x3] =	stream.indirect.gather [spmem:s29], $0x80, s7, s15, $0xb8;
	[tilespmem:$0x1B408] =	vst v63  }
0xab: {  	s1 =	sor.u32 s11, s1;
	s2 =	sshrl.u32 s31, $0x3;
	_ =	swait.ge @!p1 [sflag:s16], $0x2000  }
0xac: {  	s19 =	sshll.u32 s2, $0x9;
	s24 =	sshll.u32 s2, $0x7;
	[sflag:s16] =	ssyncset.done @!p1 $0x0  }
0xad: {  	s2 =	sshll.u32 s2, $0x12;
	s23 =	sand.u32 $0x1F000, s19;
	[sflag:s16] =	ssyncadd.s32 @!p1 $0xFFFFE000  }
0xae: {  	[tilespmem:s22], [sflag:$0x4] =	stream.indirect.gather [spmem:s29], $0x80, s13, s15, $0xb8;
	[tilespmem:$0x1B408] =	vst v63  }
0xaf: {  	s26 =	sand.u32 $0x380, s24;
	s19 =	sand.u32 $0x380, s20;
	_ =	swait.ge @!p1 [sflag:s6], $0x2000  }
0xb0: {  	s20 =	sor.u32 s19, s1;
	s1 =	simm.s32 @!p1 $0x14;
	[sflag:s6] =	ssyncset.done @!p1 $0x0  }
0xb1: {  	s19 =	simm.s32 $0x13000;
	s13 =	simm.s32 $0xF000;
	[sflag:s6] =	ssyncadd.s32 @!p1 $0xFFFFE000  }
0xb2: {  	[tilespmem:s13], [sflag:$0x5] =	stream.indirect.gather [spmem:s29], $0x80, s30, s15, $0xb8;
	[tilespmem:$0x1B408] =	vst v63  }
0xb3: {  	s22 =	simm.s32 $0x11000;
	s12 =	rddreg [dreg:$0xf];
	s13 =	simm.s32 @!p1 $0x10  }
0xb4: {  	s11 =	sshrl.u32 s12, $0x3;
	s12 =	simm.s32 @!p1 $0x13;
	_ =	swait.ge @!p1 [sflag:s13], $0x2000  }
0xb5: {  	s30 =	simm.s32 $0x11000;
	s24 =	sshll.u32 s11, $0x7;
	s16 =	rddreg [dreg:$0x11]  }
0xb6: {  	[sflag:s13] =	ssyncset.done @!p1 $0x0;
	s13 =	simm.s32 $0x13000;
	s7 =	sor.u32 s16, s23  }
0xb7: {  	[sflag:s9] =	ssyncadd.s32 @!p1 $0xFFFFE000;
	s23 =	sshll.u32 s11, $0x9;
	s6 =	sor.u32 s26, s7  }
0xb8: {  	[tilespmem:s22], [sflag:$0x6] =	stream.indirect.gather [spmem:s29], $0x80, s4, s15, $0xb8;
	[tilespmem:$0x1B408] =	vst v63  }
0xb9: {  	s4 =	sand.u32 $0x1F000, s23;
	s26 =	sand.u32 $0x380, s24;
	_ =	swait.ge @!p1 [sflag:s8], $0x2000  }
0xba: {  	s23 =	sshll.u32 s18, $0x12;
	s24 =	sshll.u32 s3, $0x12;
	[sflag:s8] =	ssyncset.done @!p1 $0x0  }
0xbb: {  	s3 =	sadd.s32 s0, s14;
	s16 =	rddreg [dreg:$0xc];
	[sflag:s8] =	ssyncadd.s32 @!p1 $0xFFFFE000  }
0xbc: {  	[tilespmem:s19], [sflag:$0x7] =	stream.indirect.gather [spmem:s29], $0x80, s20, s15, $0xb8;
	[tilespmem:$0x1B408] =	vst v63  }
0xbd: {  	s6 =	sor.u32 $0x40, s6;
	s4 =	sor.u32 s16, s4;
	_ =	swait.ge @!p1 [sflag:s5], $0x2000  }
0xbe: {  	s4 =	sor.u32 s26, s4;
	s26 =	simm.s32 $0x15000;
	s9 =	rddreg [dreg:$0x2]  }
0xbf: {  	s19 =	sshll.u32 s11, $0x12;
	s4 =	sor.u32 $0x40, s4;
	s20 =	rddreg [dreg:$0xd]  }
0xc0: {  	[sflag:s5] =	ssyncset.done @!p1 $0x0;
	s22 =	rddreg [dreg:$0xe];
	s7 =	sadd.s32 s9, s20  }
0xc1: {  	[sflag:s5] =	ssyncadd.s32 @!p1 $0xFFFFE000;
	s5 =	sor.u32 s25, s22;
	s20 =	sshll.u32 s28, $0x12  }
0xc2: {  	[tilespmem:s26], [sflag:$0x8] =	stream.indirect.gather [spmem:s29], $0x80, s6, s15, $0xb8;
	[tilespmem:$0x1B408] =	vst v63  }
0xc3: {  	s28 =	simm.s32 $0x15000;
	s22 =	sadd.s32 s9, s23;
	_ =	swait.ge @!p1 [sflag:s12], $0x2000  }
0xc4: {  	s24 =	sadd.s32 s9, s24;
	s16 =	sshll.u32 s5, $0x4;
	s18 =	rddreg [dreg:$0x10]  }
0xc5: {  	s26 =	sadd.s32 s9, s2;
	s5 =	sshll.u32 s21, $0x12;
	s8 =	rddreg [dreg:$0x12]  }
0xc6: {  	s6 =	sadd.s32 s16, s7;
	s5 =	sadd.s32 s9, s5;
	s11 =	rddreg [dreg:$0x13]  }
0xc7: {  	[sflag:s12] =	ssyncset.done @!p1 $0x0;
	s0 =	sadd.s32 $0x400, s6;
	s14 =	rddreg [dreg:$0x14]  }
0xc8: {  	s23 =	sand.u32 $0x1C0, s18;
	[sflag:s12] =	ssyncadd.s32 @!p1 $0xFFFFE000;
	s7 =	sand.u32 $0x1C0, s8  }
0xc9: {  	s12 =	sor.u32 s25, s11;
	s8 =	sor.u32 s25, s14;
	s11 =	simm.s32 $0x17000  }
0xca: {  	s18 =	simm.s32 $0x17000;
	s14 =	simm.s32 $0x19000;
	s2 =	sor.u32 s25, s23  }
0xcb: {  	[tilespmem:s18], [sflag:$0x9] =	stream.indirect.gather [spmem:s29], $0x80, s3, s15, $0xb8;
	[tilespmem:$0x1B408] =	vst v63  }
0xcc: {  	s23 =	sshll.u32 s12, $0x4;
	s21 =	sshll.u32 s8, $0x4;
	_ =	swait.ge @!p1 [sflag:s1], $0x2000  }
0xcd: {  	s7 =	sor.u32 s25, s7;
	s18 =	sadd.s32 s21, s5;
	[sflag:s1] =	ssyncset.done @!p1 $0x0  }
0xce: {  	s3 =	sshll.u32 s7, $0x4;
	s12 =	rddreg [dreg:$0xa];
	[sflag:s1] =	ssyncadd.s32 @!p1 $0xFFFFE000  }
0xcf: {  	[tilespmem:s14], [sflag:$0xA] =	stream.indirect.gather [spmem:s29], $0x80, s4, s15, $0xb8;
	[tilespmem:$0x1B408] =	vst v63  }
0xd0: {  	s8 =	sand.u32 $0x1C0, s12;
	s12 =	sand.u32 $0x1C0, s17;
	s15 =	simm.s32 $0x1  }
0xd1: {  	s29 =	rddreg [dreg:$0x8];
	s4 =	sor.u32 s25, s8;
	_ =	swait.ge [sflag:s15], $0x2000  }
0xd2: {  	s1 =	sor.u32 s25, s12;
	s14 =	simm.s32 $0x0;
	s9 =	rddreg [dreg:$0x9]  }
0xd3: {  	s25 =	simm.s32 $0x2;
	[sflag:s15] =	ssyncset.done $0x0;
	p1 =	sne.s32 s9, $0x190  }
.Ltmp0:
0xd4: {  	[sflag:s15] =	ssyncadd.s32 $0xFFFFE000;
	s15 =	simm.s32 $0x7000;
	(pc) =	sbr.rel @p1 .LBB2_2-.Ltmp0, $4  }
0xd5: {  	[hbm4b:s6+s14] =	stream.linear.scatter [tilespmem:s15], [sflag:$0xB], $0x2000, $0x38;
	[tilespmem:$0x1B408] =	vst v63  }
0xd6: {  	s7 =	simm.s32 $0x19000;
	s1 =	sshll.u32 s1, $0x4;
	_ =	swait.ge [sflag:s25], $0x2000  }
0xd7: {  	s29 =	sadd.s32 $0x80, s29;
	[sflag:s25] =	ssyncset.done $0x0;
	s31 =	rddreg [dreg:$0xb]  }
0xd8: {  	s21 =	smov.u32 s9;
	[sflag:s25] =	ssyncadd.s32 $0xFFFFE000;
	s31 =	sadd.s32 $0x400, s31  }
0xd9: {  	s6 =	simm.s32 $0x0;
	s5 =	simm.s32 $0x9000;
	s8 =	simm.s32 $0x3  }
0xda: {  	[hbm4b:s0+s6] =	stream.linear.scatter [tilespmem:s5], [sflag:$0xC], $0x2000, $0x38;
	[tilespmem:$0x1B408] =	vst v63  }
0xdb: {  	_ =	swait.ge [sflag:s8], $0x2000  }
0xdc: {  	s5 =	rddreg [dreg:$0x2]  }
0xdd: {  	s14 =	simm.s32 $0xB000;
	[sflag:s8] =	ssyncset.done $0x0;
	s12 =	sadd.s32 s5, s20  }
0xde: {  	s15 =	simm.s32 $0x4;
	[sflag:s8] =	ssyncadd.s32 $0xFFFFE000;
	s0 =	sadd.s32 s23, s12  }
0xdf: {  	[hbm4b:s0+s6] =	stream.linear.scatter [tilespmem:s14], [sflag:$0xD], $0x2000, $0x38;
	[tilespmem:$0x1B408] =	vst v63  }
0xe0: {  	_ =	swait.ge [sflag:s15], $0x2000  }
0xe1: {  	s17 =	sshll.u32 s2, $0x4;
	s21 =	simm.s32 $0x5;
	[sflag:s15] =	ssyncset.done $0x0  }
0xe2: {  	s20 =	simm.s32 $0xD000;
	s0 =	sadd.s32 s17, s22;
	[sflag:s15] =	ssyncadd.s32 $0xFFFFE000  }
0xe3: {  	[hbm4b:s0+s6] =	stream.linear.scatter [tilespmem:s20], [sflag:$0xE], $0x2000, $0x38;
	[tilespmem:$0x1B408] =	vst v63  }
0xe4: {  	_ =	swait.ge [sflag:s21], $0x2000  }
0xe5: {  	[sflag:s21] =	ssyncset.done $0x0  }
0xe6: {  	s23 =	simm.s32 $0x6;
	s22 =	simm.s32 $0xF000;
	[sflag:s21] =	ssyncadd.s32 $0xFFFFE000  }
0xe7: {  	[hbm4b:s18+s6] =	stream.linear.scatter [tilespmem:s22], [sflag:$0xF], $0x2000, $0x38;
	[tilespmem:$0x1B408] =	vst v63  }
0xe8: {  	_ =	swait.ge [sflag:s23], $0x2000  }
0xe9: {  	s24 =	sadd.s32 s3, s24;
	[sflag:s23] =	ssyncset.done $0x0;
	s25 =	rddreg [dreg:$0x6]  }
0xea: {  	s31 =	simm.s32 $0x7;
	s29 =	rddreg [dreg:$0x5];
	[sflag:s23] =	ssyncadd.s32 $0xFFFFE000  }
0xeb: {  	[hbm4b:s24+s6] =	stream.linear.scatter [tilespmem:s30], [sflag:$0x10], $0x2000, $0x38;
	[tilespmem:$0x1B408] =	vst v63  }
0xec: {  	s0 =	sshll.u32 s25, $0x12;
	s2 =	sor.u32 s29, s10;
	_ =	swait.ge [sflag:s31], $0x2000  }
0xed: {  	s0 =	sadd.s32 s5, s0;
	s2 =	sshll.u32 s2, $0x4;
	[sflag:s31] =	ssyncset.done $0x0  }
0xee: {  	s8 =	simm.s32 $0x8;
	s0 =	sadd.s32 s2, s0;
	[sflag:s31] =	ssyncadd.s32 $0xFFFFE000  }
0xef: {  	[hbm4b:s0+s6] =	stream.linear.scatter [tilespmem:s13], [sflag:$0x11], $0x2000, $0x38;
	[tilespmem:$0x1B408] =	vst v63  }
0xf0: {  	_ =	swait.ge [sflag:s8], $0x2000  }
0xf1: {  	s9 =	sshll.u32 s4, $0x4;
	[sflag:s8] =	ssyncset.done $0x0  }
0xf2: {  	s10 =	simm.s32 $0x9;
	s0 =	sadd.s32 s9, s26;
	[sflag:s8] =	ssyncadd.s32 $0xFFFFE000  }
0xf3: {  	[hbm4b:s0+s6] =	stream.linear.scatter [tilespmem:s28], [sflag:$0x12], $0x2000, $0x38;
	[tilespmem:$0x1B408] =	vst v63  }
0xf4: {  	_ =	swait.ge [sflag:s10], $0x2000  }
0xf5: {  	s12 =	rddreg [dreg:$0x7]  }
0xf6: {  	s14 =	sadd.s32 s5, s16;
	[sflag:s10] =	ssyncset.done $0x0;
	s0 =	sshll.u32 s12, $0x12  }
0xf7: {  	s15 =	simm.s32 $0xA;
	[sflag:s10] =	ssyncadd.s32 $0xFFFFE000;
	s0 =	sadd.s32 s0, s14  }
0xf8: {  	[hbm4b:s0+s6] =	stream.linear.scatter [tilespmem:s11], [sflag:$0x13], $0x2000, $0x38;
	[tilespmem:$0x1B408] =	vst v63  }
0xf9: {  	_ =	swait.ge [sflag:s15], $0x2000  }
0xfa: {  	s16 =	sadd.s32 s5, s19;
	[sflag:s15] =	ssyncset.done $0x0  }
0xfb: {  	s17 =	simm.s32 $0xB;
	s0 =	sadd.s32 s1, s16;
	[sflag:s15] =	ssyncadd.s32 $0xFFFFE000  }
0xfc: {  	[hbm4b:s0+s6] =	stream.linear.scatter [tilespmem:s7], [sflag:$0x14], $0x2000, $0x38;
	[tilespmem:$0x1B408] =	vst v63  }
0xfd: {  	_ =	swait.ge [sflag:s17], $0x2000  }
0xfe: {  	[sflag:s17] =	ssyncset.done $0x0  }
0xff: {  	s18 =	simm.s32 $0xC;
	[sflag:s17] =	ssyncadd.s32 $0xFFFFE000  }
0x100: {  	_ =	swait.ge [sflag:s18], $0x2000  }
0x101: {  	[sflag:s18] =	ssyncset.done $0x0  }
0x102: {  	s19 =	simm.s32 $0xD;
	[sflag:s18] =	ssyncadd.s32 $0xFFFFE000  }
0x103: {  	_ =	swait.ge [sflag:s19], $0x2000  }
0x104: {  	[sflag:s19] =	ssyncset.done $0x0  }
0x105: {  	s20 =	simm.s32 $0xE;
	[sflag:s19] =	ssyncadd.s32 $0xFFFFE000  }
0x106: {  	_ =	swait.ge [sflag:s20], $0x2000  }
0x107: {  	[sflag:s20] =	ssyncset.done $0x0  }
0x108: {  	s21 =	simm.s32 $0xF;
	[sflag:s20] =	ssyncadd.s32 $0xFFFFE000  }
0x109: {  	_ =	swait.ge [sflag:s21], $0x2000  }
0x10a: {  	[sflag:s21] =	ssyncset.done $0x0  }
0x10b: {  	s22 =	simm.s32 $0x10;
	[sflag:s21] =	ssyncadd.s32 $0xFFFFE000  }
0x10c: {  	_ =	swait.ge [sflag:s22], $0x2000  }
0x10d: {  	[sflag:s22] =	ssyncset.done $0x0  }
0x10e: {  	s23 =	simm.s32 $0x11;
	[sflag:s22] =	ssyncadd.s32 $0xFFFFE000  }
0x10f: {  	_ =	swait.ge [sflag:s23], $0x2000  }
0x110: {  	[sflag:s23] =	ssyncset.done $0x0  }
0x111: {  	s24 =	simm.s32 $0x12;
	[sflag:s23] =	ssyncadd.s32 $0xFFFFE000  }
0x112: {  	_ =	swait.ge [sflag:s24], $0x2000  }
0x113: {  	[sflag:s24] =	ssyncset.done $0x0  }
0x114: {  	s25 =	simm.s32 $0x13;
	[sflag:s24] =	ssyncadd.s32 $0xFFFFE000  }
0x115: {  	_ =	swait.ge [sflag:s25], $0x2000  }
0x116: {  	[sflag:s25] =	ssyncset.done $0x0  }
0x117: {  	s26 =	simm.s32 $0x14;
	[sflag:s25] =	ssyncadd.s32 $0xFFFFE000  }
0x118: {  	_ =	swait.ge [sflag:s26], $0x2000  }
0x119: {  	s29 =	rddreg [dreg:$0x1a]  }
0x11a: {  	s31 =	rddreg [dreg:$0x18];
	s2 =	sadd.s32 $0x1, s29  }
0x11b: {  	p1 =	sne.s32 s2, s31  }
.Ltmp1:
0x11c: {  	_ = 	snop;
	(pc) =	sbr.rel @p1 .LBB2_1-.Ltmp1, $4  }
0x11d: {  	_ = 	snop  }
0x11e: {  	[sflag:s26] =	ssyncset.done $0x0  }
0x11f: {  	[sflag:s26] =	ssyncadd.s32 $0xFFFFE000  }
0x120: {  	s19 =	simm.s32 $0x7000;
	s25 =	simm.s32 $0x40;
	s10 =	rddreg [dreg:$0x3]  }
0x121: {  	_ =	sfence.sel $0x180000  }
0x122: {  	[bflag:$0x0] =	sbarrier.arrive $0xFFFF  }
0x123: {  	_ =	strace $0x90000047  }
0x124: {  	[bflag:$0x2] =	sbarrier.arrive $0xFFFF  }
0x125: {  	s0 =	rddreg [dreg:$0x4]  }
0x126: {  	s0 =	sadd.s32 @!p0 $0x100000, s0  }
0x127: {  	[sflag:s0] =	ssyncadd.tile.s32 @!p0 $0x1;
	_ =	shalt  }
.Lfunc_end2:
_tile_overlayer_lowered:
.L_overlay_start_2:
0x128: {  	(tag) =	ssettag $0x2  }
0x129: {  	s0 =	rddreg [dreg:$0x0];
	s2 =	stileid.u32  }
0x12a: {  	s1 =	rddreg [dreg:$0x1];
	p0 =	sne.s32 s2, $0x0  }
0x12b: {  	s3 =	rddreg [dreg:$0x2];
	[bflag:$0x3] =	sbarrier.arrive $0xFFFF;
	s2 =	simm.s32 @!p0 $0x1C15  }
0x12c: {  	[timem:s3], [sflag:s2] =	dma.local @!p0 [hbm:s0], s1  }
0x12d: {  	s0 =	simm.s32 @!p0 $0x15  }
0x12e: {  	_ =	swait.ge @!p0 [sflag:s0], s1  }
0x12f: {  	s1 =	ssub.s32 @!p0 $0x0, s1;
	[sflag:s0] =	ssyncset.done @!p0 $0x0  }
0x130: {  	[sflag:s0] =	ssyncadd.s32 @!p0 s1  }
0x131: {  	[bflag:$0x3] =	sbarrier.arrive $0xFFFF  }
0x132: {  	_ =	shalt  }

</sc_bundles>
